<compile_context>
chip_gen: v7x
topology: tpu7x:2x2x1
jax: 0.10.2.dev20260603
libtpu: 0.0.44.dev20260713+nightly
codegen_flags: <defaults>
</compile_context>

<pallas_src>
import functools

import jax
import jax.numpy as jnp
from jax import lax
from jax.experimental import pallas as pl
from jax.experimental.pallas import tpu as pltpu
from jax.experimental.pallas import tpu_sc as plsc

NC = 2
NS = 16
NW = NC * NS
LANES = 16


@functools.partial(jax.jit, static_argnames=("batch", "length", "lpad", "dim"))
def _embed_mean(idx_t, table, *, batch, length, lpad, dim):
    bpw = batch // NW
    mesh = plsc.VectorSubcoreMesh(core_axis_name="c", subcore_axis_name="s")

    @functools.partial(
        pl.kernel,
        out_type=jax.ShapeDtypeStruct((batch, dim), jnp.float32),
        mesh=mesh,
        scratch_types=[
            pltpu.VMEM((lpad, bpw), jnp.int32),
            pltpu.VMEM((bpw, dim), jnp.float32),
            pltpu.VMEM((1, dim), jnp.float32),
            pltpu.VMEM((bpw,), jnp.float32),
            pltpu.SemaphoreType.DMA,
            pltpu.SemaphoreType.DMA,
        ],
    )
    def body(idx_hbm, table_hbm, out_hbm, idx_v, acc, t0, cnt_v, sem, lsem):
        wid = lax.axis_index("s") * NC + lax.axis_index("c")
        idx_cp = pltpu.async_copy(idx_hbm.at[wid], idx_v, lsem)
        t0_cp = pltpu.async_copy(table_hbm.at[pl.ds(0, 1)], t0, lsem)

        zero = jnp.zeros((LANES,), jnp.float32)

        def zero_body(b, _):
            for k in range(dim // LANES):
                acc[b, pl.ds(k * LANES, LANES)] = zero
            return ()

        lax.fori_loop(0, bpw, zero_body, ())
        idx_cp.wait()
        t0_cp.wait()

        def fire(j, _):
            pltpu.async_copy(table_hbm.at[idx_v.at[j]], acc, sem, add=True)
            return ()

        lax.fori_loop(0, length, fire, ())

        def cnt_body(j, carry):
            accs = list(carry)
            for k in range(bpw // LANES):
                v = idx_v[j, pl.ds(k * LANES, LANES)]
                accs[k] = accs[k] + jnp.where(v == 0, 1.0, 0.0).astype(jnp.float32)
            return tuple(accs)

        counts = lax.fori_loop(
            0, length, cnt_body,
            tuple(jnp.zeros((LANES,), jnp.float32) for _ in range(bpw // LANES)),
        )
        for k in range(bpw // LANES):
            cnt_v[pl.ds(k * LANES, LANES)] = counts[k]

        def drain(j, _):
            pltpu.make_async_copy(table_hbm.at[idx_v.at[0]], acc, sem).wait()
            return ()

        lax.fori_loop(0, length, drain, ())

        scale = jnp.float32(1.0 / length)
        ts = [t0[0, pl.ds(k * LANES, LANES)] * scale for k in range(dim // LANES)]
        dnums = lax.GatherDimensionNumbers(
            offset_dims=(), collapsed_slice_dims=(0,), start_index_map=(0,))

        def fix_body(b, _):
            base = (b // LANES) * LANES
            lane = b - base
            cv = cnt_v[pl.ds(base, LANES)]
            cb = lax.gather(
                cv, jnp.full((LANES, 1), lane, jnp.int32), dnums, (1,),
                mode=lax.GatherScatterMode.PROMISE_IN_BOUNDS)
            for k in range(dim // LANES):
                a = acc[b, pl.ds(k * LANES, LANES)]
                acc[b, pl.ds(k * LANES, LANES)] = a * scale - cb * ts[k]
            return ()

        lax.fori_loop(0, bpw, fix_body, ())
        pltpu.sync_copy(acc, out_hbm.at[pl.ds(wid * bpw, bpw)])

    return body(idx_t, table)


def kernel(news, table):
    batch, seq = news.shape
    _, dim = table.shape
    length = seq // 4
    lpad = -(-length // 8) * 8
    bpw = batch // NW
    idx_t = (
        news[:, :lpad]
        .reshape(NW, bpw, lpad)
        .transpose(0, 2, 1)
    )
    return _embed_mean(idx_t, table, batch=batch, length=length, lpad=lpad, dim=dim)

# --- scband reference (transcript-rebuilt; emitter-appended) ---
"""Pipeline reference for scband-news-encoder-78451872629339 (READ-ONLY COPY).

The authoritative reference and input builder live on the scoring server;
editing this copy changes nothing except your own understanding.
"""

import jax, jax.numpy as jnp
import numpy as np

BATCH = 4096
SEQ = 200
VOCAB = 100000
DIM = 128

def setup_inputs(seed: int = 0) -> dict:
    key = jax.random.key(seed)
    k1, k2 = jax.random.split(key)
    news = jax.random.randint(k1, (BATCH, SEQ), 0, VOCAB, dtype=jnp.int32)
    table = jax.random.normal(k2, (VOCAB, DIM), dtype=jnp.float32) * 0.02
    return {"news": news, "table": table}

def reference(news, table):
    # padding_idx=0 -> row 0 of the embedding table is zero
    t = table.at[0].set(0.0)
    length = news.shape[1] // 4
    emb = jnp.take(t, news[:, :length], axis=0)  # [B, length, D] gather
    return emb.mean(axis=1)  # [B, D]

if __name__ == "__main__":
    import jax
    _d = setup_inputs()
    print(jax.jit(kernel)(*tuple(_d.values())))

</pallas_src>

<mosaic_0001>
#map = affine_map<(d0, d1) -> (0, 0, 0)>
#map1 = affine_map<(d0, d1) -> (0, 0)>
module attributes {stable_mosaic.version = 14 : i64} {
  func.func @body(%arg0: i32, %arg1: i32, %arg2: memref<32x56x128xi32, #tpu.memory_space<hbm>>, %arg3: memref<100000x128xf32, #tpu.memory_space<hbm>>, %arg4: memref<4096x128xf32, #tpu.memory_space<hbm>>, %arg5: memref<56x128xi32, #tpu.memory_space<vmem>>, %arg6: memref<128x128xf32, #tpu.memory_space<vmem>>, %arg7: memref<1x128xf32, #tpu.memory_space<vmem>>, %arg8: memref<128xf32, #tpu.memory_space<vmem>>, %arg9: memref<!tpu.dma_semaphore, #tpu.memory_space<semaphore_mem>>, %arg10: memref<!tpu.dma_semaphore, #tpu.memory_space<semaphore_mem>>) attributes {dimension_semantics = [#tpu.dimension_semantics<core_parallel>, #tpu.dimension_semantics<subcore_parallel>], iteration_bounds = array<i64: 2, 16>, scalar_prefetch = 0 : i64, scratch_operands = 6 : i64, tpu.core_type = #tpu.core_type<sc_vector_subcore>, window_params = [{transform_indices = #map}, {transform_indices = #map1}, {transform_indices = #map1}]} {
    %mul3A = arith.constant 2 : i32
    %mul3A_0 = arith.muli %arg1, %mul3A : i32
    %add3A = arith.addi %mul3A_0, %arg0 : i32
    %dma_start3A = arith.constant 0 : i32
    %dma_start3A_1 = arith.constant 0 : i32
    %dma_start3A_2 = tpu.memref_slice %arg2[%add3A, %dma_start3A, %dma_start3A_1] : memref<32x56x128xi32, #tpu.memory_space<hbm>> -> memref<1x56x128xi32, #tpu.memory_space<hbm>>
    %dma_start3A_3 = tpu.memref_squeeze %dma_start3A_2 : memref<1x56x128xi32, #tpu.memory_space<hbm>> -> memref<56x128xi32, #tpu.memory_space<hbm>>
    %dma_start3A_4 = arith.constant 0 : i32
    %dma_start3A_5 = arith.constant 0 : i32
    %dma_start3A_6 = tpu.memref_slice %arg2[%add3A, %dma_start3A_4, %dma_start3A_5] : memref<32x56x128xi32, #tpu.memory_space<hbm>> -> memref<1x56x128xi32, #tpu.memory_space<hbm>>
    %dma_start3A_7 = tpu.memref_squeeze %dma_start3A_6 : memref<1x56x128xi32, #tpu.memory_space<hbm>> -> memref<56x128xi32, #tpu.memory_space<hbm>>
    tpu.enqueue_dma source(%dma_start3A_7 : memref<56x128xi32, #tpu.memory_space<hbm>>) target(%arg5 : memref<56x128xi32, #tpu.memory_space<vmem>>) target_semaphore(%arg10 : memref<!tpu.dma_semaphore, #tpu.memory_space<semaphore_mem>>)
    %dma_start3A_8 = arith.constant 0 : i32
    %dma_start3A_9 = arith.constant 0 : i32
    %dma_start3A_10 = tpu.memref_slice %arg3[%dma_start3A_8, %dma_start3A_9] : memref<100000x128xf32, #tpu.memory_space<hbm>> -> memref<1x128xf32, #tpu.memory_space<hbm>>
    %dma_start3A_11 = arith.constant 0 : i32
    %dma_start3A_12 = arith.constant 0 : i32
    %dma_start3A_13 = tpu.memref_slice %arg3[%dma_start3A_11, %dma_start3A_12] : memref<100000x128xf32, #tpu.memory_space<hbm>> -> memref<1x128xf32, #tpu.memory_space<hbm>>
    tpu.enqueue_dma source(%dma_start3A_13 : memref<1x128xf32, #tpu.memory_space<hbm>>) target(%arg7 : memref<1x128xf32, #tpu.memory_space<vmem>>) target_semaphore(%arg10 : memref<!tpu.dma_semaphore, #tpu.memory_space<semaphore_mem>>)
    %broadcast_in_dim3A = arith.constant 0.000000e+00 : f32
    %broadcast_in_dim3A_14 = vector.broadcast %broadcast_in_dim3A : f32 to vector<16xf32>
    %scan3A = arith.constant 0 : i32
    %scan3A_15 = arith.constant 128 : i32
    %scan3A_16 = arith.addi %scan3A, %scan3A_15 : i32
    %scan3A_17 = arith.constant 1 : i32
    scf.for %scan3A_166 = %scan3A to %scan3A_16 step %scan3A_17  : i32 {
      %swap3A_167 = arith.index_cast %scan3A_166 : i32 to index
      %swap3A_168 = arith.constant 0 : index
      %swap3A_169 = tpu.vector_load %arg6[%swap3A_167, %swap3A_168] {strides = array<i32>} : memref<128x128xf32, #tpu.memory_space<vmem>>, vector<1x16xf32>,
      %swap3A_170 = vector.shape_cast %swap3A_169 : vector<1x16xf32> to vector<16xf32>
      %swap3A_171 = vector.shape_cast %broadcast_in_dim3A_14 : vector<16xf32> to vector<1x16xf32>
      tpu.vector_store %arg6[%swap3A_167, %swap3A_168], %swap3A_171 {strides = array<i32>} : memref<128x128xf32, #tpu.memory_space<vmem>>, vector<1x16xf32>,
      %swap3A_172 = arith.index_cast %scan3A_166 : i32 to index
      %swap3A_173 = arith.constant 16 : index
      %swap3A_174 = tpu.vector_load %arg6[%swap3A_172, %swap3A_173] {strides = array<i32>} : memref<128x128xf32, #tpu.memory_space<vmem>>, vector<1x16xf32>,
      %swap3A_175 = vector.shape_cast %swap3A_174 : vector<1x16xf32> to vector<16xf32>
      %swap3A_176 = vector.shape_cast %broadcast_in_dim3A_14 : vector<16xf32> to vector<1x16xf32>
      tpu.vector_store %arg6[%swap3A_172, %swap3A_173], %swap3A_176 {strides = array<i32>} : memref<128x128xf32, #tpu.memory_space<vmem>>, vector<1x16xf32>,
      %swap3A_177 = arith.index_cast %scan3A_166 : i32 to index
      %swap3A_178 = arith.constant 32 : index
      %swap3A_179 = tpu.vector_load %arg6[%swap3A_177, %swap3A_178] {strides = array<i32>} : memref<128x128xf32, #tpu.memory_space<vmem>>, vector<1x16xf32>,
      %swap3A_180 = vector.shape_cast %swap3A_179 : vector<1x16xf32> to vector<16xf32>
      %swap3A_181 = vector.shape_cast %broadcast_in_dim3A_14 : vector<16xf32> to vector<1x16xf32>
      tpu.vector_store %arg6[%swap3A_177, %swap3A_178], %swap3A_181 {strides = array<i32>} : memref<128x128xf32, #tpu.memory_space<vmem>>, vector<1x16xf32>,
      %swap3A_182 = arith.index_cast %scan3A_166 : i32 to index
      %swap3A_183 = arith.constant 48 : index
      %swap3A_184 = tpu.vector_load %arg6[%swap3A_182, %swap3A_183] {strides = array<i32>} : memref<128x128xf32, #tpu.memory_space<vmem>>, vector<1x16xf32>,
      %swap3A_185 = vector.shape_cast %swap3A_184 : vector<1x16xf32> to vector<16xf32>
      %swap3A_186 = vector.shape_cast %broadcast_in_dim3A_14 : vector<16xf32> to vector<1x16xf32>
      tpu.vector_store %arg6[%swap3A_182, %swap3A_183], %swap3A_186 {strides = array<i32>} : memref<128x128xf32, #tpu.memory_space<vmem>>, vector<1x16xf32>,
      %swap3A_187 = arith.index_cast %scan3A_166 : i32 to index
      %swap3A_188 = arith.constant 64 : index
      %swap3A_189 = tpu.vector_load %arg6[%swap3A_187, %swap3A_188] {strides = array<i32>} : memref<128x128xf32, #tpu.memory_space<vmem>>, vector<1x16xf32>,
      %swap3A_190 = vector.shape_cast %swap3A_189 : vector<1x16xf32> to vector<16xf32>
      %swap3A_191 = vector.shape_cast %broadcast_in_dim3A_14 : vector<16xf32> to vector<1x16xf32>
      tpu.vector_store %arg6[%swap3A_187, %swap3A_188], %swap3A_191 {strides = array<i32>} : memref<128x128xf32, #tpu.memory_space<vmem>>, vector<1x16xf32>,
      %swap3A_192 = arith.index_cast %scan3A_166 : i32 to index
      %swap3A_193 = arith.constant 80 : index
      %swap3A_194 = tpu.vector_load %arg6[%swap3A_192, %swap3A_193] {strides = array<i32>} : memref<128x128xf32, #tpu.memory_space<vmem>>, vector<1x16xf32>,
      %swap3A_195 = vector.shape_cast %swap3A_194 : vector<1x16xf32> to vector<16xf32>
      %swap3A_196 = vector.shape_cast %broadcast_in_dim3A_14 : vector<16xf32> to vector<1x16xf32>
      tpu.vector_store %arg6[%swap3A_192, %swap3A_193], %swap3A_196 {strides = array<i32>} : memref<128x128xf32, #tpu.memory_space<vmem>>, vector<1x16xf32>,
      %swap3A_197 = arith.index_cast %scan3A_166 : i32 to index
      %swap3A_198 = arith.constant 96 : index
      %swap3A_199 = tpu.vector_load %arg6[%swap3A_197, %swap3A_198] {strides = array<i32>} : memref<128x128xf32, #tpu.memory_space<vmem>>, vector<1x16xf32>,
      %swap3A_200 = vector.shape_cast %swap3A_199 : vector<1x16xf32> to vector<16xf32>
      %swap3A_201 = vector.shape_cast %broadcast_in_dim3A_14 : vector<16xf32> to vector<1x16xf32>
      tpu.vector_store %arg6[%swap3A_197, %swap3A_198], %swap3A_201 {strides = array<i32>} : memref<128x128xf32, #tpu.memory_space<vmem>>, vector<1x16xf32>,
      %swap3A_202 = arith.index_cast %scan3A_166 : i32 to index
      %swap3A_203 = arith.constant 112 : index
      %swap3A_204 = tpu.vector_load %arg6[%swap3A_202, %swap3A_203] {strides = array<i32>} : memref<128x128xf32, #tpu.memory_space<vmem>>, vector<1x16xf32>,
      %swap3A_205 = vector.shape_cast %swap3A_204 : vector<1x16xf32> to vector<16xf32>
      %swap3A_206 = vector.shape_cast %broadcast_in_dim3A_14 : vector<16xf32> to vector<1x16xf32>
      tpu.vector_store %arg6[%swap3A_202, %swap3A_203], %swap3A_206 {strides = array<i32>} : memref<128x128xf32, #tpu.memory_space<vmem>>, vector<1x16xf32>,
    }
    %scan3A_18 = arith.constant 128 : i32
    %dma_wait3A = arith.constant 0 : i32
    %dma_wait3A_19 = arith.constant 0 : i32
    %dma_wait3A_20 = tpu.memref_slice %arg2[%add3A, %dma_wait3A, %dma_wait3A_19] : memref<32x56x128xi32, #tpu.memory_space<hbm>> -> memref<1x56x128xi32, #tpu.memory_space<hbm>>
    %dma_wait3A_21 = tpu.memref_squeeze %dma_wait3A_20 : memref<1x56x128xi32, #tpu.memory_space<hbm>> -> memref<56x128xi32, #tpu.memory_space<hbm>>
    %dma_wait3A_22 = arith.constant 0 : i32
    %dma_wait3A_23 = arith.constant 0 : i32
    %dma_wait3A_24 = tpu.memref_slice %arg2[%add3A, %dma_wait3A_22, %dma_wait3A_23] : memref<32x56x128xi32, #tpu.memory_space<hbm>> -> memref<1x56x128xi32, #tpu.memory_space<hbm>>
    %dma_wait3A_25 = tpu.memref_squeeze %dma_wait3A_24 : memref<1x56x128xi32, #tpu.memory_space<hbm>> -> memref<56x128xi32, #tpu.memory_space<hbm>>
    tpu.wait_dma2 semaphore(%arg10 : memref<!tpu.dma_semaphore, #tpu.memory_space<semaphore_mem>>) src(%dma_wait3A_25 : memref<56x128xi32, #tpu.memory_space<hbm>>) dst(%arg5 : memref<56x128xi32, #tpu.memory_space<vmem>>)
    %dma_wait3A_26 = arith.constant 0 : i32
    %dma_wait3A_27 = arith.constant 0 : i32
    %dma_wait3A_28 = tpu.memref_slice %arg3[%dma_wait3A_26, %dma_wait3A_27] : memref<100000x128xf32, #tpu.memory_space<hbm>> -> memref<1x128xf32, #tpu.memory_space<hbm>>
    %dma_wait3A_29 = arith.constant 0 : i32
    %dma_wait3A_30 = arith.constant 0 : i32
    %dma_wait3A_31 = tpu.memref_slice %arg3[%dma_wait3A_29, %dma_wait3A_30] : memref<100000x128xf32, #tpu.memory_space<hbm>> -> memref<1x128xf32, #tpu.memory_space<hbm>>
    tpu.wait_dma2 semaphore(%arg10 : memref<!tpu.dma_semaphore, #tpu.memory_space<semaphore_mem>>) src(%dma_wait3A_31 : memref<1x128xf32, #tpu.memory_space<hbm>>) dst(%arg7 : memref<1x128xf32, #tpu.memory_space<vmem>>)
    %scan3A_32 = arith.constant 0 : i32
    %scan3A_33 = arith.constant 50 : i32
    %scan3A_34 = arith.addi %scan3A_32, %scan3A_33 : i32
    %scan3A_35 = arith.constant 1 : i32
    scf.for %scan3A_166 = %scan3A_32 to %scan3A_34 step %scan3A_35  : i32 {
      %dma_start3A_167 = arith.constant 0 : i32
      %dma_start3A_168 = tpu.memref_slice %arg5[%scan3A_166, %dma_start3A_167] : memref<56x128xi32, #tpu.memory_space<vmem>> -> memref<1x128xi32, #tpu.memory_space<vmem>>
      %dma_start3A_169 = tpu.memref_squeeze %dma_start3A_168 : memref<1x128xi32, #tpu.memory_space<vmem>> -> memref<128xi32, #tpu.memory_space<vmem>>
      %dma_start3A_170 = arith.constant 0 : i32
      %dma_start3A_171 = arith.constant 0 : i32
      %dma_start3A_172 = tpu.memref_slice %arg3[%dma_start3A_170, %dma_start3A_171] : memref<100000x128xf32, #tpu.memory_space<hbm>> -> memref<100000x128xf32, #tpu.memory_space<hbm>>
      tpu.enqueue_indirect_dma source(%dma_start3A_172 : memref<100000x128xf32, #tpu.memory_space<hbm>>) target(%arg6 : memref<128x128xf32, #tpu.memory_space<vmem>>) offsets(%dma_start3A_169 : memref<128xi32, #tpu.memory_space<vmem>>) semaphore(%arg9 : memref<!tpu.dma_semaphore, #tpu.memory_space<semaphore_mem>>) {add = true}
    }
    %scan3A_36 = arith.constant 50 : i32
    %broadcast_in_dim3A_37 = arith.constant 0.000000e+00 : f32
    %broadcast_in_dim3A_38 = vector.broadcast %broadcast_in_dim3A_37 : f32 to vector<16xf32>
    %broadcast_in_dim3A_39 = arith.constant 0.000000e+00 : f32
    %broadcast_in_dim3A_40 = vector.broadcast %broadcast_in_dim3A_39 : f32 to vector<16xf32>
    %broadcast_in_dim3A_41 = arith.constant 0.000000e+00 : f32
    %broadcast_in_dim3A_42 = vector.broadcast %broadcast_in_dim3A_41 : f32 to vector<16xf32>
    %broadcast_in_dim3A_43 = arith.constant 0.000000e+00 : f32
    %broadcast_in_dim3A_44 = vector.broadcast %broadcast_in_dim3A_43 : f32 to vector<16xf32>
    %broadcast_in_dim3A_45 = arith.constant 0.000000e+00 : f32
    %broadcast_in_dim3A_46 = vector.broadcast %broadcast_in_dim3A_45 : f32 to vector<16xf32>
    %broadcast_in_dim3A_47 = arith.constant 0.000000e+00 : f32
    %broadcast_in_dim3A_48 = vector.broadcast %broadcast_in_dim3A_47 : f32 to vector<16xf32>
    %broadcast_in_dim3A_49 = arith.constant 0.000000e+00 : f32
    %broadcast_in_dim3A_50 = vector.broadcast %broadcast_in_dim3A_49 : f32 to vector<16xf32>
    %broadcast_in_dim3A_51 = arith.constant 0.000000e+00 : f32
    %broadcast_in_dim3A_52 = vector.broadcast %broadcast_in_dim3A_51 : f32 to vector<16xf32>
    %scan3A_53 = arith.constant 0 : i32
    %scan3A_54 = arith.constant 50 : i32
    %scan3A_55 = arith.addi %scan3A_53, %scan3A_54 : i32
    %scan3A_56 = arith.constant 1 : i32
    %scan3A_57:8 = scf.for %scan3A_166 = %scan3A_53 to %scan3A_55 step %scan3A_56 iter_args(%scan3A_167 = %broadcast_in_dim3A_38, %scan3A_168 = %broadcast_in_dim3A_40, %scan3A_169 = %broadcast_in_dim3A_42, %scan3A_170 = %broadcast_in_dim3A_44, %scan3A_171 = %broadcast_in_dim3A_46, %scan3A_172 = %broadcast_in_dim3A_48, %scan3A_173 = %broadcast_in_dim3A_50, %scan3A_174 = %broadcast_in_dim3A_52) -> (vector<16xf32>, vector<16xf32>, vector<16xf32>, vector<16xf32>, vector<16xf32>, vector<16xf32>, vector<16xf32>, vector<16xf32>)  : i32 {
      %get3A_175 = arith.index_cast %scan3A_166 : i32 to index
      %get3A_176 = arith.constant 0 : index
      %get3A_177 = tpu.vector_load %arg5[%get3A_175, %get3A_176] {strides = array<i32>} : memref<56x128xi32, #tpu.memory_space<vmem>>, vector<1x16xi32>,
      %get3A_178 = vector.shape_cast %get3A_177 : vector<1x16xi32> to vector<16xi32>
      %eq3A = arith.constant 0 : i32
      %eq3A_179 = vector.broadcast %eq3A : i32 to vector<16xi32>
      %eq3A_180 = arith.cmpi eq, %get3A_178, %eq3A_179 : vector<16xi32>
      %jit3A = arith.constant 1.000000e+00 : f32
      %jit3A_181 = arith.constant 0.000000e+00 : f32
      %broadcast_in_dim3A_182 = vector.broadcast %jit3A : f32 to vector<16xf32>
      %broadcast_in_dim3A_183 = vector.broadcast %jit3A_181 : f32 to vector<16xf32>
      %select_n3A = arith.select %eq3A_180, %broadcast_in_dim3A_182, %broadcast_in_dim3A_183 : vector<16xi1>, vector<16xf32>
      %add3A_184 = arith.addf %scan3A_167, %select_n3A : vector<16xf32>
      %get3A_185 = arith.index_cast %scan3A_166 : i32 to index
      %get3A_186 = arith.constant 16 : index
      %get3A_187 = tpu.vector_load %arg5[%get3A_185, %get3A_186] {strides = array<i32>} : memref<56x128xi32, #tpu.memory_space<vmem>>, vector<1x16xi32>,
      %get3A_188 = vector.shape_cast %get3A_187 : vector<1x16xi32> to vector<16xi32>
      %eq3A_189 = arith.constant 0 : i32
      %eq3A_190 = vector.broadcast %eq3A_189 : i32 to vector<16xi32>
      %eq3A_191 = arith.cmpi eq, %get3A_188, %eq3A_190 : vector<16xi32>
      %jit3A_192 = arith.constant 1.000000e+00 : f32
      %jit3A_193 = arith.constant 0.000000e+00 : f32
      %broadcast_in_dim3A_194 = vector.broadcast %jit3A_192 : f32 to vector<16xf32>
      %broadcast_in_dim3A_195 = vector.broadcast %jit3A_193 : f32 to vector<16xf32>
      %select_n3A_196 = arith.select %eq3A_191, %broadcast_in_dim3A_194, %broadcast_in_dim3A_195 : vector<16xi1>, vector<16xf32>
      %add3A_197 = arith.addf %scan3A_168, %select_n3A_196 : vector<16xf32>
      %get3A_198 = arith.index_cast %scan3A_166 : i32 to index
      %get3A_199 = arith.constant 32 : index
      %get3A_200 = tpu.vector_load %arg5[%get3A_198, %get3A_199] {strides = array<i32>} : memref<56x128xi32, #tpu.memory_space<vmem>>, vector<1x16xi32>,
      %get3A_201 = vector.shape_cast %get3A_200 : vector<1x16xi32> to vector<16xi32>
      %eq3A_202 = arith.constant 0 : i32
      %eq3A_203 = vector.broadcast %eq3A_202 : i32 to vector<16xi32>
      %eq3A_204 = arith.cmpi eq, %get3A_201, %eq3A_203 : vector<16xi32>
      %jit3A_205 = arith.constant 1.000000e+00 : f32
      %jit3A_206 = arith.constant 0.000000e+00 : f32
      %broadcast_in_dim3A_207 = vector.broadcast %jit3A_205 : f32 to vector<16xf32>
      %broadcast_in_dim3A_208 = vector.broadcast %jit3A_206 : f32 to vector<16xf32>
      %select_n3A_209 = arith.select %eq3A_204, %broadcast_in_dim3A_207, %broadcast_in_dim3A_208 : vector<16xi1>, vector<16xf32>
      %add3A_210 = arith.addf %scan3A_169, %select_n3A_209 : vector<16xf32>
      %get3A_211 = arith.index_cast %scan3A_166 : i32 to index
      %get3A_212 = arith.constant 48 : index
      %get3A_213 = tpu.vector_load %arg5[%get3A_211, %get3A_212] {strides = array<i32>} : memref<56x128xi32, #tpu.memory_space<vmem>>, vector<1x16xi32>,
      %get3A_214 = vector.shape_cast %get3A_213 : vector<1x16xi32> to vector<16xi32>
      %eq3A_215 = arith.constant 0 : i32
      %eq3A_216 = vector.broadcast %eq3A_215 : i32 to vector<16xi32>
      %eq3A_217 = arith.cmpi eq, %get3A_214, %eq3A_216 : vector<16xi32>
      %jit3A_218 = arith.constant 1.000000e+00 : f32
      %jit3A_219 = arith.constant 0.000000e+00 : f32
      %broadcast_in_dim3A_220 = vector.broadcast %jit3A_218 : f32 to vector<16xf32>
      %broadcast_in_dim3A_221 = vector.broadcast %jit3A_219 : f32 to vector<16xf32>
      %select_n3A_222 = arith.select %eq3A_217, %broadcast_in_dim3A_220, %broadcast_in_dim3A_221 : vector<16xi1>, vector<16xf32>
      %add3A_223 = arith.addf %scan3A_170, %select_n3A_222 : vector<16xf32>
      %get3A_224 = arith.index_cast %scan3A_166 : i32 to index
      %get3A_225 = arith.constant 64 : index
      %get3A_226 = tpu.vector_load %arg5[%get3A_224, %get3A_225] {strides = array<i32>} : memref<56x128xi32, #tpu.memory_space<vmem>>, vector<1x16xi32>,
      %get3A_227 = vector.shape_cast %get3A_226 : vector<1x16xi32> to vector<16xi32>
      %eq3A_228 = arith.constant 0 : i32
      %eq3A_229 = vector.broadcast %eq3A_228 : i32 to vector<16xi32>
      %eq3A_230 = arith.cmpi eq, %get3A_227, %eq3A_229 : vector<16xi32>
      %jit3A_231 = arith.constant 1.000000e+00 : f32
      %jit3A_232 = arith.constant 0.000000e+00 : f32
      %broadcast_in_dim3A_233 = vector.broadcast %jit3A_231 : f32 to vector<16xf32>
      %broadcast_in_dim3A_234 = vector.broadcast %jit3A_232 : f32 to vector<16xf32>
      %select_n3A_235 = arith.select %eq3A_230, %broadcast_in_dim3A_233, %broadcast_in_dim3A_234 : vector<16xi1>, vector<16xf32>
      %add3A_236 = arith.addf %scan3A_171, %select_n3A_235 : vector<16xf32>
      %get3A_237 = arith.index_cast %scan3A_166 : i32 to index
      %get3A_238 = arith.constant 80 : index
      %get3A_239 = tpu.vector_load %arg5[%get3A_237, %get3A_238] {strides = array<i32>} : memref<56x128xi32, #tpu.memory_space<vmem>>, vector<1x16xi32>,
      %get3A_240 = vector.shape_cast %get3A_239 : vector<1x16xi32> to vector<16xi32>
      %eq3A_241 = arith.constant 0 : i32
      %eq3A_242 = vector.broadcast %eq3A_241 : i32 to vector<16xi32>
      %eq3A_243 = arith.cmpi eq, %get3A_240, %eq3A_242 : vector<16xi32>
      %jit3A_244 = arith.constant 1.000000e+00 : f32
      %jit3A_245 = arith.constant 0.000000e+00 : f32
      %broadcast_in_dim3A_246 = vector.broadcast %jit3A_244 : f32 to vector<16xf32>
      %broadcast_in_dim3A_247 = vector.broadcast %jit3A_245 : f32 to vector<16xf32>
      %select_n3A_248 = arith.select %eq3A_243, %broadcast_in_dim3A_246, %broadcast_in_dim3A_247 : vector<16xi1>, vector<16xf32>
      %add3A_249 = arith.addf %scan3A_172, %select_n3A_248 : vector<16xf32>
      %get3A_250 = arith.index_cast %scan3A_166 : i32 to index
      %get3A_251 = arith.constant 96 : index
      %get3A_252 = tpu.vector_load %arg5[%get3A_250, %get3A_251] {strides = array<i32>} : memref<56x128xi32, #tpu.memory_space<vmem>>, vector<1x16xi32>,
      %get3A_253 = vector.shape_cast %get3A_252 : vector<1x16xi32> to vector<16xi32>
      %eq3A_254 = arith.constant 0 : i32
      %eq3A_255 = vector.broadcast %eq3A_254 : i32 to vector<16xi32>
      %eq3A_256 = arith.cmpi eq, %get3A_253, %eq3A_255 : vector<16xi32>
      %jit3A_257 = arith.constant 1.000000e+00 : f32
      %jit3A_258 = arith.constant 0.000000e+00 : f32
      %broadcast_in_dim3A_259 = vector.broadcast %jit3A_257 : f32 to vector<16xf32>
      %broadcast_in_dim3A_260 = vector.broadcast %jit3A_258 : f32 to vector<16xf32>
      %select_n3A_261 = arith.select %eq3A_256, %broadcast_in_dim3A_259, %broadcast_in_dim3A_260 : vector<16xi1>, vector<16xf32>
      %add3A_262 = arith.addf %scan3A_173, %select_n3A_261 : vector<16xf32>
      %get3A_263 = arith.index_cast %scan3A_166 : i32 to index
      %get3A_264 = arith.constant 112 : index
      %get3A_265 = tpu.vector_load %arg5[%get3A_263, %get3A_264] {strides = array<i32>} : memref<56x128xi32, #tpu.memory_space<vmem>>, vector<1x16xi32>,
      %get3A_266 = vector.shape_cast %get3A_265 : vector<1x16xi32> to vector<16xi32>
      %eq3A_267 = arith.constant 0 : i32
      %eq3A_268 = vector.broadcast %eq3A_267 : i32 to vector<16xi32>
      %eq3A_269 = arith.cmpi eq, %get3A_266, %eq3A_268 : vector<16xi32>
      %jit3A_270 = arith.constant 1.000000e+00 : f32
      %jit3A_271 = arith.constant 0.000000e+00 : f32
      %broadcast_in_dim3A_272 = vector.broadcast %jit3A_270 : f32 to vector<16xf32>
      %broadcast_in_dim3A_273 = vector.broadcast %jit3A_271 : f32 to vector<16xf32>
      %select_n3A_274 = arith.select %eq3A_269, %broadcast_in_dim3A_272, %broadcast_in_dim3A_273 : vector<16xi1>, vector<16xf32>
      %add3A_275 = arith.addf %scan3A_174, %select_n3A_274 : vector<16xf32>
      scf.yield %add3A_184, %add3A_197, %add3A_210, %add3A_223, %add3A_236, %add3A_249, %add3A_262, %add3A_275 : vector<16xf32>, vector<16xf32>, vector<16xf32>, vector<16xf32>, vector<16xf32>, vector<16xf32>, vector<16xf32>, vector<16xf32>
    }
    %scan3A_58 = arith.constant 50 : i32
    %swap3A = arith.constant 0 : index
    %swap3A_59 = tpu.vector_load %arg8[%swap3A] {strides = array<i32>} : memref<128xf32, #tpu.memory_space<vmem>>, vector<16xf32>,
    %swap3A_60 = vector.shape_cast %swap3A_59 : vector<16xf32> to vector<16xf32>
    %swap3A_61 = vector.shape_cast %scan3A_57#0 : vector<16xf32> to vector<16xf32>
    tpu.vector_store %arg8[%swap3A], %swap3A_61 {strides = array<i32>} : memref<128xf32, #tpu.memory_space<vmem>>, vector<16xf32>,
    %swap3A_62 = arith.constant 16 : index
    %swap3A_63 = tpu.vector_load %arg8[%swap3A_62] {strides = array<i32>} : memref<128xf32, #tpu.memory_space<vmem>>, vector<16xf32>,
    %swap3A_64 = vector.shape_cast %swap3A_63 : vector<16xf32> to vector<16xf32>
    %swap3A_65 = vector.shape_cast %scan3A_57#1 : vector<16xf32> to vector<16xf32>
    tpu.vector_store %arg8[%swap3A_62], %swap3A_65 {strides = array<i32>} : memref<128xf32, #tpu.memory_space<vmem>>, vector<16xf32>,
    %swap3A_66 = arith.constant 32 : index
    %swap3A_67 = tpu.vector_load %arg8[%swap3A_66] {strides = array<i32>} : memref<128xf32, #tpu.memory_space<vmem>>, vector<16xf32>,
    %swap3A_68 = vector.shape_cast %swap3A_67 : vector<16xf32> to vector<16xf32>
    %swap3A_69 = vector.shape_cast %scan3A_57#2 : vector<16xf32> to vector<16xf32>
    tpu.vector_store %arg8[%swap3A_66], %swap3A_69 {strides = array<i32>} : memref<128xf32, #tpu.memory_space<vmem>>, vector<16xf32>,
    %swap3A_70 = arith.constant 48 : index
    %swap3A_71 = tpu.vector_load %arg8[%swap3A_70] {strides = array<i32>} : memref<128xf32, #tpu.memory_space<vmem>>, vector<16xf32>,
    %swap3A_72 = vector.shape_cast %swap3A_71 : vector<16xf32> to vector<16xf32>
    %swap3A_73 = vector.shape_cast %scan3A_57#3 : vector<16xf32> to vector<16xf32>
    tpu.vector_store %arg8[%swap3A_70], %swap3A_73 {strides = array<i32>} : memref<128xf32, #tpu.memory_space<vmem>>, vector<16xf32>,
    %swap3A_74 = arith.constant 64 : index
    %swap3A_75 = tpu.vector_load %arg8[%swap3A_74] {strides = array<i32>} : memref<128xf32, #tpu.memory_space<vmem>>, vector<16xf32>,
    %swap3A_76 = vector.shape_cast %swap3A_75 : vector<16xf32> to vector<16xf32>
    %swap3A_77 = vector.shape_cast %scan3A_57#4 : vector<16xf32> to vector<16xf32>
    tpu.vector_store %arg8[%swap3A_74], %swap3A_77 {strides = array<i32>} : memref<128xf32, #tpu.memory_space<vmem>>, vector<16xf32>,
    %swap3A_78 = arith.constant 80 : index
    %swap3A_79 = tpu.vector_load %arg8[%swap3A_78] {strides = array<i32>} : memref<128xf32, #tpu.memory_space<vmem>>, vector<16xf32>,
    %swap3A_80 = vector.shape_cast %swap3A_79 : vector<16xf32> to vector<16xf32>
    %swap3A_81 = vector.shape_cast %scan3A_57#5 : vector<16xf32> to vector<16xf32>
    tpu.vector_store %arg8[%swap3A_78], %swap3A_81 {strides = array<i32>} : memref<128xf32, #tpu.memory_space<vmem>>, vector<16xf32>,
    %swap3A_82 = arith.constant 96 : index
    %swap3A_83 = tpu.vector_load %arg8[%swap3A_82] {strides = array<i32>} : memref<128xf32, #tpu.memory_space<vmem>>, vector<16xf32>,
    %swap3A_84 = vector.shape_cast %swap3A_83 : vector<16xf32> to vector<16xf32>
    %swap3A_85 = vector.shape_cast %scan3A_57#6 : vector<16xf32> to vector<16xf32>
    tpu.vector_store %arg8[%swap3A_82], %swap3A_85 {strides = array<i32>} : memref<128xf32, #tpu.memory_space<vmem>>, vector<16xf32>,
    %swap3A_86 = arith.constant 112 : index
    %swap3A_87 = tpu.vector_load %arg8[%swap3A_86] {strides = array<i32>} : memref<128xf32, #tpu.memory_space<vmem>>, vector<16xf32>,
    %swap3A_88 = vector.shape_cast %swap3A_87 : vector<16xf32> to vector<16xf32>
    %swap3A_89 = vector.shape_cast %scan3A_57#7 : vector<16xf32> to vector<16xf32>
    tpu.vector_store %arg8[%swap3A_86], %swap3A_89 {strides = array<i32>} : memref<128xf32, #tpu.memory_space<vmem>>, vector<16xf32>,
    %scan3A_90 = arith.constant 0 : i32
    %scan3A_91 = arith.constant 50 : i32
    %scan3A_92 = arith.addi %scan3A_90, %scan3A_91 : i32
    %scan3A_93 = arith.constant 1 : i32
    scf.for %scan3A_166 = %scan3A_90 to %scan3A_92 step %scan3A_93  : i32 {
      %dma_wait3A_167 = arith.constant 0 : i32
      %dma_wait3A_168 = arith.constant 0 : i32
      %dma_wait3A_169 = tpu.memref_slice %arg5[%dma_wait3A_167, %dma_wait3A_168] : memref<56x128xi32, #tpu.memory_space<vmem>> -> memref<1x128xi32, #tpu.memory_space<vmem>>
      %dma_wait3A_170 = tpu.memref_squeeze %dma_wait3A_169 : memref<1x128xi32, #tpu.memory_space<vmem>> -> memref<128xi32, #tpu.memory_space<vmem>>
      %dma_wait3A_171 = arith.constant 0 : i32
      %dma_wait3A_172 = arith.constant 0 : i32
      %dma_wait3A_173 = tpu.memref_slice %arg3[%dma_wait3A_171, %dma_wait3A_172] : memref<100000x128xf32, #tpu.memory_space<hbm>> -> memref<100000x128xf32, #tpu.memory_space<hbm>>
      tpu.wait_indirect_dma semaphore(%arg9 : memref<!tpu.dma_semaphore, #tpu.memory_space<semaphore_mem>>) src(%dma_wait3A_173 : memref<100000x128xf32, #tpu.memory_space<hbm>>) dst(%arg6 : memref<128x128xf32, #tpu.memory_space<vmem>>)
    }
    %scan3A_94 = arith.constant 50 : i32
    %get3A = arith.constant 0 : i32
    %get3A_95 = arith.index_cast %get3A : i32 to index
    %get3A_96 = arith.constant 0 : index
    %get3A_97 = tpu.vector_load %arg7[%get3A_95, %get3A_96] {strides = array<i32>} : memref<1x128xf32, #tpu.memory_space<vmem>>, vector<1x16xf32>,
    %get3A_98 = vector.shape_cast %get3A_97 : vector<1x16xf32> to vector<16xf32>
    %mul3A_99 = arith.constant 2.000000e-02 : f32
    %mul3A_100 = vector.broadcast %mul3A_99 : f32 to vector<16xf32>
    %mul3A_101 = arith.mulf %get3A_98, %mul3A_100 : vector<16xf32>
    %get3A_102 = arith.constant 0 : i32
    %get3A_103 = arith.index_cast %get3A_102 : i32 to index
    %get3A_104 = arith.constant 16 : index
    %get3A_105 = tpu.vector_load %arg7[%get3A_103, %get3A_104] {strides = array<i32>} : memref<1x128xf32, #tpu.memory_space<vmem>>, vector<1x16xf32>,
    %get3A_106 = vector.shape_cast %get3A_105 : vector<1x16xf32> to vector<16xf32>
    %mul3A_107 = arith.constant 2.000000e-02 : f32
    %mul3A_108 = vector.broadcast %mul3A_107 : f32 to vector<16xf32>
    %mul3A_109 = arith.mulf %get3A_106, %mul3A_108 : vector<16xf32>
    %get3A_110 = arith.constant 0 : i32
    %get3A_111 = arith.index_cast %get3A_110 : i32 to index
    %get3A_112 = arith.constant 32 : index
    %get3A_113 = tpu.vector_load %arg7[%get3A_111, %get3A_112] {strides = array<i32>} : memref<1x128xf32, #tpu.memory_space<vmem>>, vector<1x16xf32>,
    %get3A_114 = vector.shape_cast %get3A_113 : vector<1x16xf32> to vector<16xf32>
    %mul3A_115 = arith.constant 2.000000e-02 : f32
    %mul3A_116 = vector.broadcast %mul3A_115 : f32 to vector<16xf32>
    %mul3A_117 = arith.mulf %get3A_114, %mul3A_116 : vector<16xf32>
    %get3A_118 = arith.constant 0 : i32
    %get3A_119 = arith.index_cast %get3A_118 : i32 to index
    %get3A_120 = arith.constant 48 : index
    %get3A_121 = tpu.vector_load %arg7[%get3A_119, %get3A_120] {strides = array<i32>} : memref<1x128xf32, #tpu.memory_space<vmem>>, vector<1x16xf32>,
    %get3A_122 = vector.shape_cast %get3A_121 : vector<1x16xf32> to vector<16xf32>
    %mul3A_123 = arith.constant 2.000000e-02 : f32
    %mul3A_124 = vector.broadcast %mul3A_123 : f32 to vector<16xf32>
    %mul3A_125 = arith.mulf %get3A_122, %mul3A_124 : vector<16xf32>
    %get3A_126 = arith.constant 0 : i32
    %get3A_127 = arith.index_cast %get3A_126 : i32 to index
    %get3A_128 = arith.constant 64 : index
    %get3A_129 = tpu.vector_load %arg7[%get3A_127, %get3A_128] {strides = array<i32>} : memref<1x128xf32, #tpu.memory_space<vmem>>, vector<1x16xf32>,
    %get3A_130 = vector.shape_cast %get3A_129 : vector<1x16xf32> to vector<16xf32>
    %mul3A_131 = arith.constant 2.000000e-02 : f32
    %mul3A_132 = vector.broadcast %mul3A_131 : f32 to vector<16xf32>
    %mul3A_133 = arith.mulf %get3A_130, %mul3A_132 : vector<16xf32>
    %get3A_134 = arith.constant 0 : i32
    %get3A_135 = arith.index_cast %get3A_134 : i32 to index
    %get3A_136 = arith.constant 80 : index
    %get3A_137 = tpu.vector_load %arg7[%get3A_135, %get3A_136] {strides = array<i32>} : memref<1x128xf32, #tpu.memory_space<vmem>>, vector<1x16xf32>,
    %get3A_138 = vector.shape_cast %get3A_137 : vector<1x16xf32> to vector<16xf32>
    %mul3A_139 = arith.constant 2.000000e-02 : f32
    %mul3A_140 = vector.broadcast %mul3A_139 : f32 to vector<16xf32>
    %mul3A_141 = arith.mulf %get3A_138, %mul3A_140 : vector<16xf32>
    %get3A_142 = arith.constant 0 : i32
    %get3A_143 = arith.index_cast %get3A_142 : i32 to index
    %get3A_144 = arith.constant 96 : index
    %get3A_145 = tpu.vector_load %arg7[%get3A_143, %get3A_144] {strides = array<i32>} : memref<1x128xf32, #tpu.memory_space<vmem>>, vector<1x16xf32>,
    %get3A_146 = vector.shape_cast %get3A_145 : vector<1x16xf32> to vector<16xf32>
    %mul3A_147 = arith.constant 2.000000e-02 : f32
    %mul3A_148 = vector.broadcast %mul3A_147 : f32 to vector<16xf32>
    %mul3A_149 = arith.mulf %get3A_146, %mul3A_148 : vector<16xf32>
    %get3A_150 = arith.constant 0 : i32
    %get3A_151 = arith.index_cast %get3A_150 : i32 to index
    %get3A_152 = arith.constant 112 : index
    %get3A_153 = tpu.vector_load %arg7[%get3A_151, %get3A_152] {strides = array<i32>} : memref<1x128xf32, #tpu.memory_space<vmem>>, vector<1x16xf32>,
    %get3A_154 = vector.shape_cast %get3A_153 : vector<1x16xf32> to vector<16xf32>
    %mul3A_155 = arith.constant 2.000000e-02 : f32
    %mul3A_156 = vector.broadcast %mul3A_155 : f32 to vector<16xf32>
    %mul3A_157 = arith.mulf %get3A_154, %mul3A_156 : vector<16xf32>
    %scan3A_158 = arith.constant 2.000000e-02 : f32
    %scan3A_159 = arith.constant 0 : i32
    %scan3A_160 = arith.constant 128 : i32
    %scan3A_161 = arith.addi %scan3A_159, %scan3A_160 : i32
    %scan3A_162 = arith.constant 1 : i32
    scf.for %scan3A_166 = %scan3A_159 to %scan3A_161 step %scan3A_162  : i32 {
      %jit3A = arith.constant 16 : i32
      %div3A = arith.divsi %scan3A_166, %jit3A : i32
      %sign3A = arith.constant 0 : i32
      %sign3A_167 = arith.cmpi sgt, %scan3A_166, %sign3A : i32
      %sign3A_168 = arith.extui %sign3A_167 : i1 to i32
      %sign3A_169 = arith.constant 0 : i32
      %sign3A_170 = arith.cmpi slt, %scan3A_166, %sign3A_169 : i32
      %sign3A_171 = arith.extui %sign3A_170 : i1 to i32
      %sign3A_172 = arith.subi %sign3A_168, %sign3A_171 : i32
      %sign3A_173 = arith.constant 0 : i32
      %sign3A_174 = arith.cmpi sgt, %jit3A, %sign3A_173 : i32
      %sign3A_175 = arith.extui %sign3A_174 : i1 to i32
      %sign3A_176 = arith.constant 0 : i32
      %sign3A_177 = arith.cmpi slt, %jit3A, %sign3A_176 : i32
      %sign3A_178 = arith.extui %sign3A_177 : i1 to i32
      %sign3A_179 = arith.subi %sign3A_175, %sign3A_178 : i32
      %ne3A = arith.cmpi ne, %sign3A_172, %sign3A_179 : i32
      %rem3A = arith.remsi %scan3A_166, %jit3A : i32
      %ne3A_180 = arith.constant 0 : i32
      %ne3A_181 = arith.cmpi ne, %rem3A, %ne3A_180 : i32
      %and3A = arith.andi %ne3A, %ne3A_181 : i1
      %sub3A = arith.constant 1 : i32
      %sub3A_182 = arith.subi %div3A, %sub3A : i32
      %select_n3A = arith.select %and3A, %sub3A_182, %div3A : i32
      %mul3A_183 = arith.constant 16 : i32
      %mul3A_184 = arith.muli %select_n3A, %mul3A_183 : i32
      %sub3A_185 = arith.subi %scan3A_166, %mul3A_184 : i32
      %get3A_186 = arith.index_cast %mul3A_184 : i32 to index
      %get3A_187 = tpu.vector_load %arg8[%get3A_186] {strides = array<i32>} : memref<128xf32, #tpu.memory_space<vmem>>, vector<16xf32>,
      %get3A_188 = vector.shape_cast %get3A_187 : vector<16xf32> to vector<16xf32>
      %broadcast_in_dim3A_189 = vector.broadcast %sub3A_185 : i32 to vector<16x1xi32>
      %gather3A = vector.shape_cast %broadcast_in_dim3A_189 : vector<16x1xi32> to vector<16xi32>
      %gather3A_190 = tpu.dynamic_gather %get3A_188[%gather3A] in [0] : vector<16xf32>, vector<16xi32> -> vector<16xf32>
      %get3A_191 = arith.index_cast %scan3A_166 : i32 to index
      %get3A_192 = arith.constant 0 : index
      %get3A_193 = tpu.vector_load %arg6[%get3A_191, %get3A_192] {strides = array<i32>} : memref<128x128xf32, #tpu.memory_space<vmem>>, vector<1x16xf32>,
      %get3A_194 = vector.shape_cast %get3A_193 : vector<1x16xf32> to vector<16xf32>
      %mul3A_195 = vector.broadcast %scan3A_158 : f32 to vector<16xf32>
      %mul3A_196 = arith.mulf %get3A_194, %mul3A_195 : vector<16xf32>
      %mul3A_197 = arith.mulf %gather3A_190, %mul3A_101 : vector<16xf32>
      %sub3A_198 = arith.subf %mul3A_196, %mul3A_197 : vector<16xf32>
      %swap3A_199 = arith.index_cast %scan3A_166 : i32 to index
      %swap3A_200 = arith.constant 0 : index
      %swap3A_201 = tpu.vector_load %arg6[%swap3A_199, %swap3A_200] {strides = array<i32>} : memref<128x128xf32, #tpu.memory_space<vmem>>, vector<1x16xf32>,
      %swap3A_202 = vector.shape_cast %swap3A_201 : vector<1x16xf32> to vector<16xf32>
      %swap3A_203 = vector.shape_cast %sub3A_198 : vector<16xf32> to vector<1x16xf32>
      tpu.vector_store %arg6[%swap3A_199, %swap3A_200], %swap3A_203 {strides = array<i32>} : memref<128x128xf32, #tpu.memory_space<vmem>>, vector<1x16xf32>,
      %get3A_204 = arith.index_cast %scan3A_166 : i32 to index
      %get3A_205 = arith.constant 16 : index
      %get3A_206 = tpu.vector_load %arg6[%get3A_204, %get3A_205] {strides = array<i32>} : memref<128x128xf32, #tpu.memory_space<vmem>>, vector<1x16xf32>,
      %get3A_207 = vector.shape_cast %get3A_206 : vector<1x16xf32> to vector<16xf32>
      %mul3A_208 = vector.broadcast %scan3A_158 : f32 to vector<16xf32>
      %mul3A_209 = arith.mulf %get3A_207, %mul3A_208 : vector<16xf32>
      %mul3A_210 = arith.mulf %gather3A_190, %mul3A_109 : vector<16xf32>
      %sub3A_211 = arith.subf %mul3A_209, %mul3A_210 : vector<16xf32>
      %swap3A_212 = arith.index_cast %scan3A_166 : i32 to index
      %swap3A_213 = arith.constant 16 : index
      %swap3A_214 = tpu.vector_load %arg6[%swap3A_212, %swap3A_213] {strides = array<i32>} : memref<128x128xf32, #tpu.memory_space<vmem>>, vector<1x16xf32>,
      %swap3A_215 = vector.shape_cast %swap3A_214 : vector<1x16xf32> to vector<16xf32>
      %swap3A_216 = vector.shape_cast %sub3A_211 : vector<16xf32> to vector<1x16xf32>
      tpu.vector_store %arg6[%swap3A_212, %swap3A_213], %swap3A_216 {strides = array<i32>} : memref<128x128xf32, #tpu.memory_space<vmem>>, vector<1x16xf32>,
      %get3A_217 = arith.index_cast %scan3A_166 : i32 to index
      %get3A_218 = arith.constant 32 : index
      %get3A_219 = tpu.vector_load %arg6[%get3A_217, %get3A_218] {strides = array<i32>} : memref<128x128xf32, #tpu.memory_space<vmem>>, vector<1x16xf32>,
      %get3A_220 = vector.shape_cast %get3A_219 : vector<1x16xf32> to vector<16xf32>
      %mul3A_221 = vector.broadcast %scan3A_158 : f32 to vector<16xf32>
      %mul3A_222 = arith.mulf %get3A_220, %mul3A_221 : vector<16xf32>
      %mul3A_223 = arith.mulf %gather3A_190, %mul3A_117 : vector<16xf32>
      %sub3A_224 = arith.subf %mul3A_222, %mul3A_223 : vector<16xf32>
      %swap3A_225 = arith.index_cast %scan3A_166 : i32 to index
      %swap3A_226 = arith.constant 32 : index
      %swap3A_227 = tpu.vector_load %arg6[%swap3A_225, %swap3A_226] {strides = array<i32>} : memref<128x128xf32, #tpu.memory_space<vmem>>, vector<1x16xf32>,
      %swap3A_228 = vector.shape_cast %swap3A_227 : vector<1x16xf32> to vector<16xf32>
      %swap3A_229 = vector.shape_cast %sub3A_224 : vector<16xf32> to vector<1x16xf32>
      tpu.vector_store %arg6[%swap3A_225, %swap3A_226], %swap3A_229 {strides = array<i32>} : memref<128x128xf32, #tpu.memory_space<vmem>>, vector<1x16xf32>,
      %get3A_230 = arith.index_cast %scan3A_166 : i32 to index
      %get3A_231 = arith.constant 48 : index
      %get3A_232 = tpu.vector_load %arg6[%get3A_230, %get3A_231] {strides = array<i32>} : memref<128x128xf32, #tpu.memory_space<vmem>>, vector<1x16xf32>,
      %get3A_233 = vector.shape_cast %get3A_232 : vector<1x16xf32> to vector<16xf32>
      %mul3A_234 = vector.broadcast %scan3A_158 : f32 to vector<16xf32>
      %mul3A_235 = arith.mulf %get3A_233, %mul3A_234 : vector<16xf32>
      %mul3A_236 = arith.mulf %gather3A_190, %mul3A_125 : vector<16xf32>
      %sub3A_237 = arith.subf %mul3A_235, %mul3A_236 : vector<16xf32>
      %swap3A_238 = arith.index_cast %scan3A_166 : i32 to index
      %swap3A_239 = arith.constant 48 : index
      %swap3A_240 = tpu.vector_load %arg6[%swap3A_238, %swap3A_239] {strides = array<i32>} : memref<128x128xf32, #tpu.memory_space<vmem>>, vector<1x16xf32>,
      %swap3A_241 = vector.shape_cast %swap3A_240 : vector<1x16xf32> to vector<16xf32>
      %swap3A_242 = vector.shape_cast %sub3A_237 : vector<16xf32> to vector<1x16xf32>
      tpu.vector_store %arg6[%swap3A_238, %swap3A_239], %swap3A_242 {strides = array<i32>} : memref<128x128xf32, #tpu.memory_space<vmem>>, vector<1x16xf32>,
      %get3A_243 = arith.index_cast %scan3A_166 : i32 to index
      %get3A_244 = arith.constant 64 : index
      %get3A_245 = tpu.vector_load %arg6[%get3A_243, %get3A_244] {strides = array<i32>} : memref<128x128xf32, #tpu.memory_space<vmem>>, vector<1x16xf32>,
      %get3A_246 = vector.shape_cast %get3A_245 : vector<1x16xf32> to vector<16xf32>
      %mul3A_247 = vector.broadcast %scan3A_158 : f32 to vector<16xf32>
      %mul3A_248 = arith.mulf %get3A_246, %mul3A_247 : vector<16xf32>
      %mul3A_249 = arith.mulf %gather3A_190, %mul3A_133 : vector<16xf32>
      %sub3A_250 = arith.subf %mul3A_248, %mul3A_249 : vector<16xf32>
      %swap3A_251 = arith.index_cast %scan3A_166 : i32 to index
      %swap3A_252 = arith.constant 64 : index
      %swap3A_253 = tpu.vector_load %arg6[%swap3A_251, %swap3A_252] {strides = array<i32>} : memref<128x128xf32, #tpu.memory_space<vmem>>, vector<1x16xf32>,
      %swap3A_254 = vector.shape_cast %swap3A_253 : vector<1x16xf32> to vector<16xf32>
      %swap3A_255 = vector.shape_cast %sub3A_250 : vector<16xf32> to vector<1x16xf32>
      tpu.vector_store %arg6[%swap3A_251, %swap3A_252], %swap3A_255 {strides = array<i32>} : memref<128x128xf32, #tpu.memory_space<vmem>>, vector<1x16xf32>,
      %get3A_256 = arith.index_cast %scan3A_166 : i32 to index
      %get3A_257 = arith.constant 80 : index
      %get3A_258 = tpu.vector_load %arg6[%get3A_256, %get3A_257] {strides = array<i32>} : memref<128x128xf32, #tpu.memory_space<vmem>>, vector<1x16xf32>,
      %get3A_259 = vector.shape_cast %get3A_258 : vector<1x16xf32> to vector<16xf32>
      %mul3A_260 = vector.broadcast %scan3A_158 : f32 to vector<16xf32>
      %mul3A_261 = arith.mulf %get3A_259, %mul3A_260 : vector<16xf32>
      %mul3A_262 = arith.mulf %gather3A_190, %mul3A_141 : vector<16xf32>
      %sub3A_263 = arith.subf %mul3A_261, %mul3A_262 : vector<16xf32>
      %swap3A_264 = arith.index_cast %scan3A_166 : i32 to index
      %swap3A_265 = arith.constant 80 : index
      %swap3A_266 = tpu.vector_load %arg6[%swap3A_264, %swap3A_265] {strides = array<i32>} : memref<128x128xf32, #tpu.memory_space<vmem>>, vector<1x16xf32>,
      %swap3A_267 = vector.shape_cast %swap3A_266 : vector<1x16xf32> to vector<16xf32>
      %swap3A_268 = vector.shape_cast %sub3A_263 : vector<16xf32> to vector<1x16xf32>
      tpu.vector_store %arg6[%swap3A_264, %swap3A_265], %swap3A_268 {strides = array<i32>} : memref<128x128xf32, #tpu.memory_space<vmem>>, vector<1x16xf32>,
      %get3A_269 = arith.index_cast %scan3A_166 : i32 to index
      %get3A_270 = arith.constant 96 : index
      %get3A_271 = tpu.vector_load %arg6[%get3A_269, %get3A_270] {strides = array<i32>} : memref<128x128xf32, #tpu.memory_space<vmem>>, vector<1x16xf32>,
      %get3A_272 = vector.shape_cast %get3A_271 : vector<1x16xf32> to vector<16xf32>
      %mul3A_273 = vector.broadcast %scan3A_158 : f32 to vector<16xf32>
      %mul3A_274 = arith.mulf %get3A_272, %mul3A_273 : vector<16xf32>
      %mul3A_275 = arith.mulf %gather3A_190, %mul3A_149 : vector<16xf32>
      %sub3A_276 = arith.subf %mul3A_274, %mul3A_275 : vector<16xf32>
      %swap3A_277 = arith.index_cast %scan3A_166 : i32 to index
      %swap3A_278 = arith.constant 96 : index
      %swap3A_279 = tpu.vector_load %arg6[%swap3A_277, %swap3A_278] {strides = array<i32>} : memref<128x128xf32, #tpu.memory_space<vmem>>, vector<1x16xf32>,
      %swap3A_280 = vector.shape_cast %swap3A_279 : vector<1x16xf32> to vector<16xf32>
      %swap3A_281 = vector.shape_cast %sub3A_276 : vector<16xf32> to vector<1x16xf32>
      tpu.vector_store %arg6[%swap3A_277, %swap3A_278], %swap3A_281 {strides = array<i32>} : memref<128x128xf32, #tpu.memory_space<vmem>>, vector<1x16xf32>,
      %get3A_282 = arith.index_cast %scan3A_166 : i32 to index
      %get3A_283 = arith.constant 112 : index
      %get3A_284 = tpu.vector_load %arg6[%get3A_282, %get3A_283] {strides = array<i32>} : memref<128x128xf32, #tpu.memory_space<vmem>>, vector<1x16xf32>,
      %get3A_285 = vector.shape_cast %get3A_284 : vector<1x16xf32> to vector<16xf32>
      %mul3A_286 = vector.broadcast %scan3A_158 : f32 to vector<16xf32>
      %mul3A_287 = arith.mulf %get3A_285, %mul3A_286 : vector<16xf32>
      %mul3A_288 = arith.mulf %gather3A_190, %mul3A_157 : vector<16xf32>
      %sub3A_289 = arith.subf %mul3A_287, %mul3A_288 : vector<16xf32>
      %swap3A_290 = arith.index_cast %scan3A_166 : i32 to index
      %swap3A_291 = arith.constant 112 : index
      %swap3A_292 = tpu.vector_load %arg6[%swap3A_290, %swap3A_291] {strides = array<i32>} : memref<128x128xf32, #tpu.memory_space<vmem>>, vector<1x16xf32>,
      %swap3A_293 = vector.shape_cast %swap3A_292 : vector<1x16xf32> to vector<16xf32>
      %swap3A_294 = vector.shape_cast %sub3A_289 : vector<16xf32> to vector<1x16xf32>
      tpu.vector_store %arg6[%swap3A_290, %swap3A_291], %swap3A_294 {strides = array<i32>} : memref<128x128xf32, #tpu.memory_space<vmem>>, vector<1x16xf32>,
    }
    %scan3A_163 = arith.constant 128 : i32
    %mul3A_164 = arith.constant 128 : i32
    %mul3A_165 = arith.muli %add3A, %mul3A_164 : i32
    "tpu.region"() ({
      %run_scoped3A = tpu.sem_alloc : memref<!tpu.dma_semaphore, #tpu.memory_space<semaphore_mem>>
      %dma_start3A_166 = arith.constant 0 : i32
      %dma_start3A_167 = tpu.memref_slice %arg4[%mul3A_165, %dma_start3A_166] : memref<4096x128xf32, #tpu.memory_space<hbm>> -> memref<128x128xf32, #tpu.memory_space<hbm>>
      %dma_start3A_168 = arith.constant 0 : i32
      %dma_start3A_169 = tpu.memref_slice %arg4[%mul3A_165, %dma_start3A_168] : memref<4096x128xf32, #tpu.memory_space<hbm>> -> memref<128x128xf32, #tpu.memory_space<hbm>>
      tpu.enqueue_dma source(%arg6 : memref<128x128xf32, #tpu.memory_space<vmem>>) target(%dma_start3A_169 : memref<128x128xf32, #tpu.memory_space<hbm>>) target_semaphore(%run_scoped3A : memref<!tpu.dma_semaphore, #tpu.memory_space<semaphore_mem>>)
      %dma_wait3A_170 = arith.constant 0 : i32
      %dma_wait3A_171 = tpu.memref_slice %arg4[%mul3A_165, %dma_wait3A_170] : memref<4096x128xf32, #tpu.memory_space<hbm>> -> memref<128x128xf32, #tpu.memory_space<hbm>>
      %dma_wait3A_172 = arith.constant 0 : i32
      %dma_wait3A_173 = tpu.memref_slice %arg4[%mul3A_165, %dma_wait3A_172] : memref<4096x128xf32, #tpu.memory_space<hbm>> -> memref<128x128xf32, #tpu.memory_space<hbm>>
      tpu.wait_dma2 semaphore(%run_scoped3A : memref<!tpu.dma_semaphore, #tpu.memory_space<semaphore_mem>>) src(%arg6 : memref<128x128xf32, #tpu.memory_space<vmem>>) dst(%dma_wait3A_173 : memref<128x128xf32, #tpu.memory_space<hbm>>)
      tpu.yield
    }) : () -> ()
    return
  }
}

</mosaic_0001>

<sc_bundles>
// kernel: _embed_mean.3.cloned.1.call-start
scs
__scs_entry_jumppad:
0x0: {  	(pc) =	sbr.rel $0x88, $3  }
0x1: {  	(tag) =	ssettag $0x0;
	lr =	simm.s32 $0x1  }
0x2: {  	[smem:$0x3F9F] =	sst lr;
	_ =	strace $0xD0000000  }
0x3: {  	_ = 	snop  }
0x4: {  	_ = 	snop  }
0x5: {  	_ = 	snop  }
0x6: {  	_ = 	snop  }
0x7: {  	_ = 	snop  }
__scs_overlays_trampoline_lowered:
0x8: {  	[smem:$0x3FAE] =	sst s0  }
0x9: {  	[smem:$0x3FAF] =	sst s1  }
0xa: {  	[smem:$0x3FB0] =	sst s2  }
0xb: {  	[smem:$0x3FB1] =	sst s3  }
0xc: {  	[smem:$0x3FB2] =	sst s4  }
0xd: {  	[smem:$0x3FB3] =	sst s5  }
0xe: {  	[smem:$0x3FB4] =	sst s6  }
0xf: {  	[smem:$0x3FB5] =	sst s7  }
0x10: {  	[smem:$0x3FB6] =	sst s8  }
0x11: {  	[smem:$0x3FB7] =	sst s9;
	s0 =	simm.s32 @!p0 $0x0  }
0x12: {  	s1 =	sld [smem:$0x3F9D];
	s0 =	simm.s32 @p0 $0x1  }
0x13: {  	[smem:$0x3FB8] =	sst s0;
	s0 =	simm.s32 @!p1 $0x0  }
0x14: {  	s2 =	sld [smem:$0x3F9C];
	s0 =	simm.s32 @p1 $0x1  }
0x15: {  	[smem:$0x3FB9] =	sst s0;
	s0 =	simm.s32 @!p2 $0x0  }
0x16: {  	s3 =	sld [smem:$0x3FDB];
	s0 =	simm.s32 @p2 $0x1  }
0x17: {  	s4 =	simm.s32 $0x1BF5;
	[smem:$0x3FBB] =	sst s0  }
0x18: {  	s0 =	sld [smem:$0x3F9E];
	_ =	swait.ge [sflag:s4], $0x0  }
0x19: {  	s7 =	sld [smem:$0x3F9F]  }
0x1a: {  	s8 =	sadd.s32 $0xFFFFE003, lr  }
0x1b: {  	s9 =	sadd.s32 $0xFFFFFEF7, lr;
	s5 =	simm.s32 $0xFFFFFFFF;
	p2 =	slt.u32 s8, $0xFFFFF086  }
0x1c: {  	p1 =	slt.u32 s9, $0xF7A;
	s5 =	simm.s32 @!p2 $0x0  }
0x1d: {  	s5 =	simm.s32 @p1 $0x1;
	p0 =	seq.s32 s7, s2  }
0x1e: {  	s7 =	smul.u32 @!p0 $0xF7A, s2;
	p2 =	seq.s32 @!p0 s5, $0x0  }
0x1f: {  	s9 =	smul.u32 $0xF7A, s1;
	s8 =	simm.s32 @!p0 $0x1BF5;
	p2 =	por !p2, p0  }
0x20: {  	[sflag:s8] =	ssyncset.s32 @!p0 $0xFFFFF086;
	s6 =	sadd.s32 @!p0 s3, s7;
	s7 =	simm.s32 @!p0 $0x108  }
0x21: {  	s3 =	sadd.s32 s3, s9;
	s6 =	sadd.s32 @!p0 $0x88, s6;
	s7 =	simm.s32 @p2 $0x1082  }
0x22: {  	[simem:s7], [sflag:s8] =	dma.local @!p0 [hbm:s6], $0xF7A  }
0x23: {  	s9 =	sor.u32 $0xD0000000, s2;
	s6 =	simm.s32 $0x108;
	_ =	swait.ge @!p0 [sflag:s8], $0x0  }
0x24: {  	s3 =	sadd.s32 $0x88, s3;
	s6 =	simm.s32 @!p1 $0x1082;
	[sflag:s4] =	ssyncset.s32 $0xFFFFF086  }
0x25: {  	[simem:s6], [sflag:s4] =	dma.local [hbm:s3], $0xF7A  }
0x26: {  	[smem:$0x3F9F] =	sst s1;
	(tag) =	ssettag s2;
	_ =	strace s9  }
0x27: {  	s1 =	sld [smem:$0x3FAF]  }
0x28: {  	s2 =	sld [smem:$0x3FB0]  }
0x29: {  	s4 =	sld [smem:$0x3FB2]  }
0x2a: {  	p0 =	seq.s32 s5, $0x0;
	s5 =	sld [smem:$0x3FB3]  }
0x2b: {  	s6 =	sld [smem:$0x3FB4]  }
0x2c: {  	s7 =	sld [smem:$0x3FB5]  }
0x2d: {  	s3 =	simm.s32 $0x108;
	s8 =	sld [smem:$0x3FB6]  }
0x2e: {  	s3 =	simm.s32 @!p0 $0x1082;
	s9 =	sld [smem:$0x3FB7]  }
0x2f: {  	lr =	sadd.s32 s0, s3;
	s0 =	sld [smem:$0x3FAE]  }
0x30: {  	s3 =	sld [smem:$0x3FB1]  }
0x31: {  	[smem:$0x3FBA] =	sst s10  }
0x32: {  	s10 =	sld [smem:$0x3FB8];
	_ =	sdelay $0x3  }
0x33: {  	p0 =	seq.s32 s10, $0x1;
	s10 =	sld [smem:$0x3FBA];
	_ =	sdelay $0x3  }
0x34: {  	[smem:$0x3FBA] =	sst s10  }
0x35: {  	s10 =	sld [smem:$0x3FB9];
	_ =	sdelay $0x3  }
0x36: {  	p1 =	seq.s32 s10, $0x1;
	s10 =	sld [smem:$0x3FBA];
	_ =	sdelay $0x3  }
0x37: {  	[smem:$0x3FBA] =	sst s10  }
0x38: {  	s10 =	sld [smem:$0x3FBB]  }
0x39: {  	_ = 	snop;
	(pc) =	sbr.ind lr, $3  }
0x3a: {  	_ = 	snop  }
0x3b: {  	_ = 	snop  }
0x3c: {  	p2 =	seq.s32 s10, $0x1;
	s10 =	sld [smem:$0x3FBA]  }
0x3d: {  	_ =	shalt  }
0x3e: {  	_ =	shalt  }
0x3f: {  	_ =	shalt  }
0x40: {  	_ =	shalt  }
0x41: {  	_ =	shalt  }
0x42: {  	_ =	shalt  }
0x43: {  	_ =	shalt  }
0x44: {  	_ =	shalt  }
0x45: {  	_ =	shalt  }
0x46: {  	_ =	shalt  }
0x47: {  	_ =	shalt  }
0x48: {  	_ =	shalt  }
0x49: {  	_ =	shalt  }
0x4a: {  	_ =	shalt  }
0x4b: {  	_ =	shalt  }
0x4c: {  	_ =	shalt  }
0x4d: {  	_ =	shalt  }
0x4e: {  	_ =	shalt  }
0x4f: {  	_ =	shalt  }
0x50: {  	_ =	shalt  }
0x51: {  	_ =	shalt  }
0x52: {  	_ =	shalt  }
0x53: {  	_ =	shalt  }
0x54: {  	_ =	shalt  }
0x55: {  	_ =	shalt  }
0x56: {  	_ =	shalt  }
0x57: {  	_ =	shalt  }
0x58: {  	_ =	shalt  }
0x59: {  	_ =	shalt  }
0x5a: {  	_ =	shalt  }
0x5b: {  	_ =	shalt  }
0x5c: {  	_ =	shalt  }
0x5d: {  	_ =	shalt  }
0x5e: {  	_ =	shalt  }
0x5f: {  	_ =	shalt  }
0x60: {  	_ =	shalt  }
0x61: {  	_ =	shalt  }
0x62: {  	_ =	shalt  }
0x63: {  	_ =	shalt  }
0x64: {  	_ =	shalt  }
0x65: {  	_ =	shalt  }
0x66: {  	_ =	shalt  }
0x67: {  	_ =	shalt  }
0x68: {  	_ =	shalt  }
0x69: {  	_ =	shalt  }
0x6a: {  	_ =	shalt  }
0x6b: {  	_ =	shalt  }
0x6c: {  	_ =	shalt  }
0x6d: {  	_ =	shalt  }
0x6e: {  	_ =	shalt  }
0x6f: {  	_ =	shalt  }
0x70: {  	_ =	shalt  }
0x71: {  	_ =	shalt  }
0x72: {  	_ =	shalt  }
0x73: {  	_ =	shalt  }
0x74: {  	_ =	shalt  }
0x75: {  	_ =	shalt  }
0x76: {  	_ =	shalt  }
0x77: {  	_ =	shalt  }
0x78: {  	_ =	shalt  }
0x79: {  	_ =	shalt  }
0x7a: {  	_ =	shalt  }
0x7b: {  	_ =	shalt  }
0x7c: {  	_ =	shalt  }
0x7d: {  	_ =	shalt  }
0x7e: {  	_ =	shalt  }
0x7f: {  	_ =	shalt  }
0x80: {  	_ =	shalt  }
0x81: {  	_ =	shalt  }
0x82: {  	_ =	shalt  }
0x83: {  	_ =	shalt  }
0x84: {  	_ =	shalt  }
0x85: {  	_ =	shalt  }
0x86: {  	_ =	shalt  }
0x87: {  	_ =	shalt  }
.Lfunc_end0:
.L_simem_size_0:
called_computation_lowered:
.L_overlay_start_0:
0x88: {  	s2 =	sld [smem:$0x3FD9]  }
0x89: {  	s3 =	sld [smem:$0x3FFE];
	_ =	sdelay $0x1  }
0x8a: {  	s1 =	srdreg.scid  }
0x8b: {  	s0 =	sand.u32 $0x1, s1  }
0x8c: {  	s18 =	sshll.u32 s0, $0xA;
	s2 =	sadd.s32 s3, s2  }
0x8d: {  	s2 =	sadd.s32 s2, s18  }
0x8e: {  	[smem:$0x3FC6] =	sst s2  }
0x8f: {  	_ = 	snop  }
0x90: {  	s2 =	sld [smem:$0x3FC9]  }
0x91: {  	s19 =	sld [smem:$0x3FC8]  }
0x92: {  	s4 =	sld [smem:$0x3FD0];
	(tm) =	ssettm $0x1  }
0x93: {  	s5 =	sld [smem:$0x3FFB];
	_ =	sdelay $0x3  }
0x94: {  	_ =	strace s5  }
0x95: {  	s5 =	sld [smem:$0x3FFC];
	_ =	sdelay $0x3  }
0x96: {  	_ =	strace s5  }
0x97: {  	s5 =	sld [smem:$0x3FFD];
	_ =	sdelay $0x3  }
0x98: {  	_ =	strace s5  }
0x99: {  	_ =	strace $0x8FFFFFFF  }
0x9a: {  	s20 =	sld [smem:$0x3FDB];
	_ =	sdelay $0x1  }
0x9b: {  	s6 =	simm.s32 $_scs_section_size  }
0x9c: {  	s7 =	simm.s32 $_size__tile_overlayer_lowered;
	s8 =	simm.s32 $_tile_overlayer_lowered  }
0x9d: {  	s23 =	simm.s32 $0x1BFF;
	s22 =	sshll.u32 s8, $0x1;
	s5 =	sadd.s32 s6, s20  }
0x9e: {  	s9 =	simm.s32 $0x0;
	s21 =	sshll.u32 s7, $0x1;
	s7 =	sadd.s32 s22, s5  }
0x9f: {  	[timem:s9], [sflag:s23] =	dma.local [hbm:s7], s21  }
0xa0: {  	_ =	swait.ge [sflag:s23], s21  }
0xa1: {  	s6 =	ssub.s32 $0x0, s21;
	[sflag:s23] =	ssyncset.done $0x0  }
0xa2: {  	[sflag:s23] =	ssyncadd.s32 s6;
	_ =	sdelay $0x1  }
0xa3: {  	s24 =	simm.s32 $0x1B8B  }
0xa4: {  	_ =	swait.ge [sflag:s24], $0x1  }
0xa5: {  	[sflag:s24] =	ssyncset.done $0x0  }
0xa6: {  	s25 =	simm.s32 $0x1B8E;
	[sflag:s24] =	ssyncadd.s32 $0xFFFFFFFF  }
0xa7: {  	s26 =	simm.s32 $execute0_lowered;
	[smem:$0x3FD2] =	sst s25  }
0xa8: {  	s6 =	sshll.u32 s26, $0x1;
	_ =	strace $0x80000046;
	[dreg:$0x1] =	wrdreg $0xFFFFFFFF  }
0xa9: {  	s28 =	simm.s32 $_size_execute0_lowered;
	s5 =	sadd.s32 s5, s6;
	[dreg:$0x0] =	wrdreg $0x0  }
0xaa: {  	s6 =	sshll.u32 s28, $0x1;
	[dreg:$0x2] =	wrdreg s5  }
0xab: {  	[dreg:$0x3] =	wrdreg s6  }
0xac: {  	[dreg:$0x4] =	wrdreg $0xC0  }
0xad: {  	_ =	task [dreg:s9], $0x5FFFF  }
0xae: {  	[dreg:$0x1] =	wrdreg $0xFFFFFFFF  }
0xaf: {  	[dreg:$0x0] =	wrdreg $0x60  }
0xb0: {  	[dreg:$0x2] =	wrdreg s2  }
0xb1: {  	[dreg:$0x3] =	wrdreg s19  }
0xb2: {  	[dreg:$0x4] =	wrdreg s4  }
0xb3: {  	[dreg:$0x5] =	wrdreg $0x9  }
0xb4: {  	_ =	task.clear_ibuf [dreg:s9], $0x6FFFF;
	_ =	strace $0x90000046  }
0xb5: {  	s29 =	simm.s32 $0x9;
	_ =	strace $0x80000048  }
0xb6: {  	_ =	swait.ge [sflag:s29], $0x1  }
0xb7: {  	[sflag:s29] =	ssyncadd.s32 $0xFFFFFFFF  }
0xb8: {  	_ =	strace $0x90000048  }
0xb9: {  	_ =	sfence  }
0xba: {  	s30 =	sld [smem:$0x0];
	_ =	sdelay $0x2  }
0xbb: {  	s31 =	sshll.u32 s1, $0xD;
	s1 =	sshrl.u32 s1, $0x2  }
0xbc: {  	s3 =	sand.u32 $0x4000, s31;
	s1 =	sadd.s32 s1, s30  }
0xbd: {  	s0 =	sor.u32 s3, s0;
	s1 =	sshll.u32 s1, $0x11  }
0xbe: {  	s0 =	sor.u32 s1, s0  }
0xbf: {  	s0 =	sadd.s32 $0x8F2B, s0  }
0xc0: {  	[sflag:s0] =	ssyncadd.remote.s32 $0x1  }
0xc1: {  	_ =	sfence.sel $0xFFFF  }
0xc2: {  	[dreg:$0x0] =	wrdreg $0xFFFFFFFF;
	(pc) =	sbr.abs _section_cstart, $3  }
0xc3: {  	[dreg:$0x1] =	wrdreg $0xFFFFFFFF  }
0xc4: {  	_ =	task.clear_ibuf [dreg:s9], $0x2FFFF;
	_ =	strace $0x9FFFFFFF  }
0xc5: {  	(tm) =	ssettm $0x7FFFFFFF  }
tec
execute0_lowered:
.L_overlay_start_1:
0x0: {  	(tag) =	ssettag $0x1  }
0x1: {  	s4 =	rddreg [dreg:$0x0]  }
0x2: {  	s2 =	rddreg [dreg:$0x1];
	s1 =	srdreg.scid  }
0x3: {  	s0 =	stileid.u32;
	s5 =	rddreg [dreg:$0x2];
	s3 =	simm.s32 $0x0  }
0x4: {  	s10 =	simm.s32 $0x1C00;
	s11 =	simm.s32 $0x1;
	s12 =	simm.s32 $0x3  }
0x5: {  	s13 =	simm.s32 $0x0;
	s6 =	sand.u32 $0x1, s1;
	s7 =	sshll.u32 s0, $0x1  }
0x6: {  	[smem:$0x7FF] =	sst s3;
	s7 =	sor.u32 s6, s7;
	s6 =	ssub.s32 $0x2, s6  }
0x7: {  	s1 =	rddreg [dreg:$0x3];
	_ =	strace $0x80000047;
	s9 =	sshrl.u32 s6, $0x1  }
0x8: {  	s8 =	smul.u32 $0x380, s7;
	s7 =	sshll.u32 s7, $0xB;
	s6 =	ssub.s32 s6, s9  }
0x9: {  	s5 =	sadd.s32 s5, s7;
	s7 =	simm.s32 $0x5C00;
	s9 =	simm.s32 $0x80  }
0xa: {  	v0 =	vimm.f32 $0.0e+00;
	s4 =	sadd.s32 s4, s8;
	s6 =	smax.u32 s6, $0x1;
	s8 =	simm.s32 $0x2  }
.LBB2_1:
0xb: {  	[tilespmem:s3], [sflag:$0x2] =	stream.linear.gather [hbm4b:s4+s3], $0x1C00, $0x38;
	[tilespmem:$0x5D00] =	vst v63  }
0xc: {  	s14 =	simm.s32 $0x0;
	s15 =	simm.s32 $0x200  }
0xd: {  	[tilespmem:s7], [sflag:$0x2] =	stream.linear.gather [hbm4b:s2+s3], $0x80, $0x38;
	[tilespmem:$0x5D00] =	vst v63  }
.LBB2_2:
0xe: {  	p0 =	sne.s32 s15, $0xFE00;
	[tilespmem:s14+$0x1C70] =	vst v0  }
0xf: {  	[tilespmem:s14+$0x1C00] =	vst v0  }
0x10: {  	[tilespmem:s14+$0x1C10] =	vst v0  }
.Ltmp0:
0x11: {  	[tilespmem:s14+$0x1C20] =	vst v0;
	(pc) =	sbr.rel @p0 .LBB2_2-.Ltmp0, $4  }
0x12: {  	[tilespmem:s14+$0x1C30] =	vst v0  }
0x13: {  	[tilespmem:s14+$0x1C40] =	vst v0  }
0x14: {  	[tilespmem:s14+$0x1C50] =	vst v0  }
0x15: {  	[tilespmem:s14+$0x1C60] =	vst v0;
	s14 =	sshra.s32 s15, $0x2;
	s15 =	sadd.s32 $0x200, s15  }
0x16: {  	[tilespmem:s14+$0x1C70] =	vst v0  }
0x17: {  	[tilespmem:s14+$0x1C00] =	vst v0  }
0x18: {  	[tilespmem:s14+$0x1C10] =	vst v0  }
0x19: {  	[tilespmem:s14+$0x1C20] =	vst v0  }
0x1a: {  	[tilespmem:s14+$0x1C30] =	vst v0  }
0x1b: {  	[tilespmem:s14+$0x1C40] =	vst v0  }
0x1c: {  	[tilespmem:s14+$0x1C50] =	vst v0  }
0x1d: {  	[tilespmem:s14+$0x1C60] =	vst v0  }
0x1e: {  	_ =	swait.ge [sflag:s8], $0x1C00  }
0x1f: {  	[sflag:s8] =	ssyncset.done $0x0  }
0x20: {  	[sflag:s8] =	ssyncadd.s32 $0xFFFFE400  }
0x21: {  	_ =	swait.ge [sflag:s8], $0x80  }
0x22: {  	[sflag:s8] =	ssyncset.done $0x0  }
0x23: {  	s14 =	simm.s32 $0x0;
	[sflag:s8] =	ssyncadd.s32 $0xFFFFFF80  }
.LBB2_4:
0x24: {  	p0 =	sne.s32 s14, $0x6200  }
.Ltmp1:
0x25: {  	_ = 	snop;
	(pc) =	sbr.rel @p0 .LBB2_4-.Ltmp1, $3  }
0x26: {  	_ =	sdelay $0x1  }
0x27: {  	s15 =	sshra.s32 s14, $0x2;
	s14 =	sadd.s32 $0x200, s14  }
0x28: {  	[tilespmem:s10], [sflag:$0x1] =	stream.indirect.gather.add.f32 [hbm:s2], $0x80, s15, s9, $0xb8;
	[tilespmem:$0x5D00] =	vst v63  }
0x29: {  	s16 =	simm.s32 $0x0  }
0x2a: {  	v1 =	vld [tilespmem:s16+$0x70]  }
0x2b: {  	v2 =	vld [tilespmem:s16+$0x0];
	_ =	sdelay $0x1  }
0x2c: {  	v3 =	vld [tilespmem:s16+$0x10]  }
0x2d: {  	v6 =	vimm.f32 $0.0e+00;
	v12 =	vld [tilespmem:s16+$0x20]  }
0x2e: {  	v8 =	vimm.f32 $0.0e+00;
	v7 =	vimm.f32 $0.0e+00;
	v4 =	vimm.f32 $0.0e+00;
	v10 =	vld [tilespmem:s16+$0x30]  }
0x2f: {  	v5 =	vimm.f32 $0.0e+00;
	v9 =	vld [tilespmem:s16+$0x40];
	vm0 =	veq.s32 v1, $0x0;
	vm1 =	veq.s32 v2, $0x0  }
0x30: {  	v11 =	vld [tilespmem:s16+$0x50];
	v2 =	vimm.f32 $0.0e+00;
	v1 =	vsel vm0, $0x3F800000, v0;
	v14 =	vsel vm1, $0x3F800000, v0  }
0x31: {  	s14 =	simm.s32 $0x80;
	s15 =	simm.s32 $0x400;
	v13 =	vld [tilespmem:s16+$0x60];
	vm0 =	veq.s32 v3, $0x0;
	v3 =	vimm.f32 $0.0e+00;
	v1 =	vadd.f32 v1, v6  }
.LBB2_6:
0x32: {  	p0 =	sne.s32 s15, $0x6200;
	v15 =	vld [tilespmem:s14+$0x70];
	v6 =	vadd.f32 v14, v6;
	v14 =	vsel vm0, $0x3F800000, v0;
	vm0 =	veq.s32 v12, $0x0  }
0x33: {  	v16 =	vld [tilespmem:s14+$0x0];
	v8 =	vadd.f32 v14, v8;
	v12 =	vsel vm0, $0x3F800000, v0;
	vm0 =	veq.s32 v10, $0x0  }
0x34: {  	v17 =	vld [tilespmem:s14+$0x10];
	v7 =	vadd.f32 v12, v7;
	v10 =	vsel vm0, $0x3F800000, v0;
	vm0 =	veq.s32 v9, $0x0  }
.Ltmp2:
0x35: {  	v12 =	vld [tilespmem:s14+$0x20];
	v4 =	vadd.f32 v10, v4;
	v9 =	vsel vm0, $0x3F800000, v0;
	vm0 =	veq.s32 v11, $0x0;
	(pc) =	sbr.rel @p0 .LBB2_6-.Ltmp2, $4  }
0x36: {  	v10 =	vld [tilespmem:s14+$0x30];
	v5 =	vadd.f32 v9, v5;
	v11 =	vsel vm0, $0x3F800000, v0;
	vm0 =	veq.s32 v13, $0x0  }
0x37: {  	v9 =	vld [tilespmem:s14+$0x40];
	vm1 =	veq.s32 v15, $0x0;
	v3 =	vadd.f32 v11, v3;
	v13 =	vsel vm0, $0x3F800000, v0  }
0x38: {  	vm0 =	veq.s32 v16, $0x0;
	v11 =	vld [tilespmem:s14+$0x50];
	v15 =	vsel vm1, $0x3F800000, v0;
	v2 =	vadd.f32 v13, v2  }
0x39: {  	v14 =	vsel vm0, $0x3F800000, v0;
	vm0 =	veq.s32 v17, $0x0;
	v13 =	vld [tilespmem:s14+$0x60];
	s14 =	sshra.s32 s15, $0x2;
	s15 =	sadd.s32 $0x200, s15;
	v1 =	vadd.f32 v15, v1  }
0x3a: {  	v45 =	vld [tilespmem:s14+$0x0]  }
0x3b: {  	v6 =	vadd.f32 v14, v6;
	v44 =	vsel vm0, $0x3F800000, v0;
	vm4 =	veq.s32 v12, $0x0;
	v47 =	vld [tilespmem:s14+$0x10]  }
0x3c: {  	v49 =	vld [tilespmem:s14+$0x20];
	v8 =	vadd.f32 v44, v8;
	v46 =	vsel vm4, $0x3F800000, v0;
	vm5 =	veq.s32 v10, $0x0  }
0x3d: {  	v51 =	vld [tilespmem:s14+$0x30];
	v7 =	vadd.f32 v46, v7;
	v48 =	vsel vm5, $0x3F800000, v0;
	vm6 =	veq.s32 v9, $0x0  }
0x3e: {  	v53 =	vld [tilespmem:s14+$0x40];
	v4 =	vadd.f32 v48, v4;
	v50 =	vsel vm6, $0x3F800000, v0;
	vm7 =	veq.s32 v11, $0x0  }
0x3f: {  	v55 =	vld [tilespmem:s14+$0x50];
	v5 =	vadd.f32 v50, v5;
	v52 =	vsel vm7, $0x3F800000, v0;
	vm8 =	veq.s32 v13, $0x0  }
0x40: {  	v57 =	vld [tilespmem:s14+$0x60];
	v3 =	vadd.f32 v52, v3;
	v54 =	vsel vm8, $0x3F800000, v0;
	vm9 =	veq.s32 v45, $0x0  }
0x41: {  	v15 =	vld [tilespmem:s14+$0x70];
	vm10 =	veq.s32 v47, $0x0;
	vm11 =	veq.s32 v49, $0x0;
	v56 =	vsel vm9, $0x3F800000, v0  }
0x42: {  	vm12 =	veq.s32 v51, $0x0;
	v58 =	vsel vm10, $0x3F800000, v0;
	v6 =	vadd.f32 v56, v6  }
0x43: {  	vm13 =	veq.s32 v53, $0x0;
	v9 =	vsel vm11, $0x3F800000, v0;
	v8 =	vadd.f32 v58, v8  }
0x44: {  	vm14 =	veq.s32 v55, $0x0;
	v59 =	vsel vm12, $0x3F800000, v0;
	v7 =	vadd.f32 v9, v7;
	[tilespmem:$0x5C80] =	vst v6  }
0x45: {  	vm15 =	veq.s32 v57, $0x0;
	v60 =	vsel vm13, $0x3F800000, v0;
	v4 =	vadd.f32 v59, v4;
	[tilespmem:$0x5C90] =	vst v8  }
0x46: {  	vm1 =	veq.s32 v15, $0x0;
	v61 =	vsel vm14, $0x3F800000, v0;
	v5 =	vadd.f32 v60, v5;
	[tilespmem:$0x5CA0] =	vst v7  }
0x47: {  	v2 =	vadd.f32 v54, v2;
	v63 =	vsel vm1, $0x3F800000, v0;
	v3 =	vadd.f32 v61, v3;
	[tilespmem:$0x5CB0] =	vst v4  }
0x48: {  	v62 =	vsel vm15, $0x3F800000, v0;
	v1 =	vadd.f32 v63, v1;
	[tilespmem:$0x5CC0] =	vst v5  }
0x49: {  	v2 =	vadd.f32 v62, v2;
	[tilespmem:$0x5CD0] =	vst v3  }
0x4a: {  	[tilespmem:$0x5CF0] =	vst v1  }
0x4b: {  	[tilespmem:$0x5CE0] =	vst v2  }
0x4c: {  	_ =	swait.ge [sflag:s11], $0x4000  }
0x4d: {  	s14 =	simm.s32 $0x31;
	[sflag:s11] =	ssyncset.done $0x0  }
.LBB2_8:
0x4e: {  	p0 =	sne.s32 s14, $0x1;
	s14 =	sadd.s32 $0xFFFFFFFF, s14;
	[sflag:s11] =	ssyncadd.s32 $0xFFFFC000  }
.Ltmp3:
0x4f: {  	(pc) =	sbr.rel @p0 .LBB2_8-.Ltmp3, $3  }
0x50: {  	_ =	sdelay $0x1  }
0x51: {  	_ =	swait.ge [sflag:s11], $0x4000  }
0x52: {  	[sflag:s11] =	ssyncset.done $0x0  }
0x53: {  	[sflag:s11] =	ssyncadd.s32 $0xFFFFC000  }
0x54: {  	v1 =	vld [tilespmem:$0x5C00]  }
0x55: {  	v2 =	vld [tilespmem:$0x5C10]  }
0x56: {  	v3 =	vld [tilespmem:$0x5C20]  }
0x57: {  	v4 =	vld [tilespmem:$0x5C30]  }
0x58: {  	v5 =	vld [tilespmem:$0x5C40]  }
0x59: {  	v6 =	vld [tilespmem:$0x5C50]  }
0x5a: {  	v8 =	vld [tilespmem:$0x5C60]  }
0x5b: {  	s14 =	simm.s32 $0x1C40;
	v9 =	vld [tilespmem:$0x5C70]  }
0x5c: {  	v10 =	vld [tilespmem:s14+$0x0]  }
0x5d: {  	s15 =	simm.s32 $0x0;
	v11 =	vld [tilespmem:s14+$0x30]  }
0x5e: {  	s16 =	sand.u32 $0x70, s15;
	v12 =	vld [tilespmem:s14+$0xFFFFFFD0]  }
0x5f: {  	v13 =	vld [tilespmem:s16+$0x5C80];
	v1 =	vmul.f32 $1.999999960e-02, v1  }
0x60: {  	v14 =	vld [tilespmem:s14+$0xFFFFFFE0];
	v2 =	vmul.f32 $1.999999960e-02, v2;
	v7 =	vmul.f32 $1.999999960e-02, v3  }
0x61: {  	v15 =	vld [tilespmem:s14+$0xFFFFFFF0];
	v4 =	vmul.f32 $1.999999960e-02, v4;
	v5 =	vmul.f32 $1.999999960e-02, v5  }
0x62: {  	v16 =	vld [tilespmem:s14+$0x20];
	v3 =	vmul.f32 $1.999999960e-02, v6;
	v8 =	vmul.f32 $1.999999960e-02, v8  }
0x63: {  	v6 =	vmul.f32 $1.999999960e-02, v9;
	v17 =	vmul.f32 $1.999999960e-02, v10;
	v9 =	vmov s15  }
0x64: {  	v19 =	vmul.f32 $1.999999960e-02, v11;
	v20 =	vperm.xlane v13, v9  }
0x65: {  	v10 =	vmul.f32 $1.999999960e-02, v12;
	v12 =	vmul.f32 $1.999999960e-02, v14;
	v13 =	vld [tilespmem:s14+$0x10]  }
0x66: {  	v21 =	vmul.f32 $1.999999960e-02, v15;
	v14 =	vmul.f32 v20, v7  }
0x67: {  	v16 =	vmul.f32 $1.999999960e-02, v16;
	v15 =	vmul.f32 v20, v8  }
0x68: {  	v11 =	vmul.f32 v20, v3;
	v22 =	vmul.f32 v20, v5;
	v18 =	vsub.f32 v12, v14  }
0x69: {  	s17 =	simm.s32 $0x1CC0;
	v23 =	vmul.f32 v20, v4;
	v24 =	vmul.f32 v20, v6;
	v12 =	vld [tilespmem:s14+$0xFFFFFFC0];
	v16 =	vsub.f32 v16, v15  }
0x6a: {  	s16 =	simm.s32 $0x1;
	v9 =	vld [tilespmem:s17+$0xFFFFFFF0];
	v15 =	vmul.f32 v20, v2;
	v14 =	vmul.f32 $1.999999960e-02, v13;
	[tilespmem:s14+$0xFFFFFFE0] =	vst v18;
	v18 =	vsub.f32 v17, v22  }
0x6b: {  	s19 =	simm.s32 $0x2;
	s18 =	sand.u32 $0x70, s16;
	s15 =	simm.s32 $0x1CC0;
	v13 =	vmul.f32 v20, v1;
	v17 =	vsub.f32 v21, v23;
	[tilespmem:s14+$0x20] =	vst v16;
	v16 =	vsub.f32 v19, v24  }
.LBB2_10:
0x6c: {  	p0 =	sne.s32 s19, $0x7F  }
0x6d: {  	s17 =	sadd.s32 $0x80, s17;
	[tilespmem:s14+$0x0] =	vst v18;
	v11 =	vsub.f32 v14, v11;
	s20 =	smov.u32 s19;
	s19 =	sadd.s32 $0x1, s19  }
0x6e: {  	v10 =	vsub.f32 v10, v15;
	v14 =	vld [tilespmem:s15+$0x0];
	v12 =	vmul.f32 $1.999999960e-02, v12;
	[tilespmem:s14+$0xFFFFFFF0] =	vst v17  }
0x6f: {  	v15 =	vld [tilespmem:s17+$0xFFFFFFF0];
	[tilespmem:s14+$0x30] =	vst v16  }
0x70: {  	v16 =	vld [tilespmem:s15+$0x30];
	v12 =	vsub.f32 v12, v13;
	[tilespmem:s14+$0xFFFFFFD0] =	vst v10  }
0x71: {  	v10 =	vld [tilespmem:s15+$0xFFFFFFD0];
	[tilespmem:s14+$0x10] =	vst v11  }
0x72: {  	v11 =	vld [tilespmem:s15+$0xFFFFFFE0];
	[tilespmem:s14+$0xFFFFFFC0] =	vst v12;
	s14 =	smov.u32 s15;
	s15 =	smov.u32 s17  }
0x73: {  	v12 =	vld [tilespmem:s18+$0x5C80]  }
0x74: {  	s18 =	sand.u32 $0x70, s20;
	v17 =	vmul.f32 $1.999999960e-02, v14;
	v13 =	vld [tilespmem:s14+$0x20]  }
0x75: {  	v16 =	vmul.f32 $1.999999960e-02, v16;
	_ =	sdelay $0x1  }
0x76: {  	v14 =	vmov s16;
	s16 =	smov.u32 s20;
	v10 =	vmul.f32 $1.999999960e-02, v10  }
0x77: {  	v18 =	vperm.xlane v12, v14;
	v14 =	vmul.f32 $1.999999960e-02, v11;
	v19 =	vld [tilespmem:s14+$0x10]  }
0x78: {  	v20 =	vmul.f32 $1.999999960e-02, v9;
	v9 =	vmov v15  }
0x79: {  	v15 =	vmul.f32 v18, v7;
	v21 =	vmul.f32 v18, v8  }
.Ltmp4:
0x7a: {  	v13 =	vmul.f32 $1.999999960e-02, v13;
	v11 =	vmul.f32 v18, v3;
	(pc) =	sbr.rel @p0 .LBB2_10-.Ltmp4, $4  }
0x7b: {  	v23 =	vmul.f32 v18, v4;
	v24 =	vmul.f32 v18, v5;
	v12 =	vld [tilespmem:s14+$0xFFFFFFC0];
	v22 =	vsub.f32 v14, v15  }
0x7c: {  	v14 =	vmul.f32 $1.999999960e-02, v19;
	v19 =	vsub.f32 v13, v21;
	v21 =	vmul.f32 v18, v6  }
0x7d: {  	v15 =	vmul.f32 v18, v2;
	v13 =	vmul.f32 v18, v1;
	v18 =	vsub.f32 v17, v24;
	[tilespmem:s14+$0xFFFFFFE0] =	vst v22  }
0x7e: {  	v17 =	vsub.f32 v20, v23;
	[tilespmem:s14+$0x20] =	vst v19;
	v16 =	vsub.f32 v16, v21  }
0x7f: {  	[tilespmem:s14+$0x0] =	vst v18  }
0x80: {  	v10 =	vsub.f32 v10, v15;
	v18 =	vld [tilespmem:s15+$0x0];
	[tilespmem:s14+$0xFFFFFFF0] =	vst v17;
	v12 =	vmul.f32 $1.999999960e-02, v12  }
0x81: {  	v11 =	vsub.f32 v14, v11;
	[tilespmem:s14+$0x30] =	vst v16  }
0x82: {  	v53 =	vld [tilespmem:s15+$0x30];
	[tilespmem:s14+$0xFFFFFFD0] =	vst v10;
	v54 =	vsub.f32 v12, v13  }
0x83: {  	[tilespmem:s14+$0x10] =	vst v11;
	v55 =	vld [tilespmem:s15+$0xFFFFFFD0]  }
0x84: {  	v11 =	vld [tilespmem:s15+$0xFFFFFFE0];
	[tilespmem:s14+$0xFFFFFFC0] =	vst v54  }
0x85: {  	v10 =	vld [tilespmem:s18+$0x5C80];
	_ =	sdelay $0x2  }
0x86: {  	v56 =	vld [tilespmem:s15+$0x20]  }
0x87: {  	v57 =	vmov s16  }
0x88: {  	v10 =	vperm.xlane v10, v57;
	_ =	sdelay $0x1  }
0x89: {  	v11 =	vmul.f32 $1.999999960e-02, v11;
	v7 =	vmul.f32 v10, v7  }
0x8a: {  	v58 =	vld [tilespmem:s15+$0x10];
	v13 =	vmul.f32 $1.999999960e-02, v56;
	v8 =	vmul.f32 v10, v8  }
0x8b: {  	v59 =	vmul.f32 $1.999999960e-02, v18;
	v17 =	vld [tilespmem:s15+$0xFFFFFFC0];
	v5 =	vmul.f32 v10, v5;
	v7 =	vsub.f32 v11, v7  }
0x8c: {  	v9 =	vmul.f32 $1.999999960e-02, v9;
	v4 =	vmul.f32 v10, v4;
	v8 =	vsub.f32 v13, v8  }
0x8d: {  	v60 =	vmul.f32 $1.999999960e-02, v53;
	v6 =	vmul.f32 v10, v6;
	v5 =	vsub.f32 v59, v5;
	[tilespmem:s15+$0xFFFFFFE0] =	vst v7  }
0x8e: {  	v61 =	vmul.f32 $1.999999960e-02, v55;
	v2 =	vmul.f32 v10, v2;
	v4 =	vsub.f32 v9, v4;
	[tilespmem:s15+$0x20] =	vst v8  }
0x8f: {  	v62 =	vmul.f32 $1.999999960e-02, v58;
	v3 =	vmul.f32 v10, v3;
	v6 =	vsub.f32 v60, v6;
	[tilespmem:s15+$0x0] =	vst v5  }
0x90: {  	v63 =	vmul.f32 $1.999999960e-02, v17;
	v1 =	vmul.f32 v10, v1;
	v2 =	vsub.f32 v61, v2;
	[tilespmem:s15+$0xFFFFFFF0] =	vst v4  }
0x91: {  	v3 =	vsub.f32 v62, v3;
	[tilespmem:s15+$0x30] =	vst v6  }
0x92: {  	s13 =	sadd.s32 $0x1, s13;
	v1 =	vsub.f32 v63, v1;
	[tilespmem:s15+$0xFFFFFFD0] =	vst v2  }
0x93: {  	p0 =	sne.s32 s13, s6;
	[tilespmem:s15+$0x10] =	vst v3  }
.Ltmp5:
0x94: {  	[tilespmem:s15+$0xFFFFFFC0] =	vst v1;
	(pc) =	sbr.rel @p0 .LBB2_1-.Ltmp5, $4  }
0x95: {  	[hbm4b:s5+s3] =	stream.linear.scatter [tilespmem:s10], [sflag:$0x3], $0x4000, $0x38;
	[tilespmem:$0x5D00] =	vst v63  }
0x96: {  	_ =	swait.ge [sflag:s12], $0x4000  }
0x97: {  	[sflag:s12] =	ssyncset.done $0x0  }
0x98: {  	[sflag:s12] =	ssyncadd.s32 $0xFFFFC000  }
0x99: {  	_ =	sfence.sel $0x180000  }
0x9a: {  	[bflag:$0x0] =	sbarrier.arrive $0xFFFF  }
0x9b: {  	p0 =	sne.s32 s0, $0x0;
	_ =	strace $0x90000047  }
0x9c: {  	s0 =	sadd.s32 @!p0 $0x100000, s1;
	[bflag:$0x2] =	sbarrier.arrive $0xFFFF  }
0x9d: {  	[sflag:s0] =	ssyncadd.tile.s32 @!p0 $0x1;
	_ =	shalt  }
.Lfunc_end2:
_tile_overlayer_lowered:
.L_overlay_start_2:
0x9e: {  	(tag) =	ssettag $0x2  }
0x9f: {  	s0 =	rddreg [dreg:$0x0];
	s2 =	stileid.u32  }
0xa0: {  	s1 =	rddreg [dreg:$0x1];
	p0 =	sne.s32 s2, $0x0  }
0xa1: {  	s3 =	rddreg [dreg:$0x2];
	[bflag:$0x3] =	sbarrier.arrive $0xFFFF;
	s2 =	simm.s32 @!p0 $0x1C03  }
0xa2: {  	[timem:s3], [sflag:s2] =	dma.local @!p0 [hbm:s0], s1  }
0xa3: {  	s0 =	simm.s32 @!p0 $0x3  }
0xa4: {  	_ =	swait.ge @!p0 [sflag:s0], s1  }
0xa5: {  	s1 =	ssub.s32 @!p0 $0x0, s1;
	[sflag:s0] =	ssyncset.done @!p0 $0x0  }
0xa6: {  	[sflag:s0] =	ssyncadd.s32 @!p0 s1  }
0xa7: {  	[bflag:$0x3] =	sbarrier.arrive $0xFFFF  }
0xa8: {  	_ =	shalt  }

</sc_bundles>
